<compile_context>
chip_gen: v7x
topology: tpu7x:2x2x1
jax: 0.10.2.dev20260603
libtpu: 0.0.44.dev20260713+nightly
codegen_flags: <defaults>
</compile_context>

<pallas_src>
import jax
import jax.numpy as jnp
from jax import lax
from jax.experimental import pallas as pl
from jax.experimental.pallas import tpu as pltpu
from jax.experimental.pallas import tpu_sc as plsc

_NC = 2
_NS = 16
_NW = _NC * _NS
_CHROWS = 128


def _gather_body(tbl_hbm, idx_hbm, out_hbm, idx_v, rows_v, tbl_sp, gsem):
    n_ch = idx_hbm.shape[1]
    wid = lax.axis_index("s") * _NC + lax.axis_index("c")

    @pl.when(lax.axis_index("s") == 0)
    def _():
        pltpu.sync_copy(tbl_hbm, tbl_sp)

    pltpu.sync_copy(idx_hbm.at[wid], idx_v)
    plsc.subcore_barrier()
    base = wid * (n_ch * _CHROWS)
    pltpu.make_async_copy(tbl_sp.at[idx_v.at[0]], rows_v.at[0], gsem).start()

    def body(c, carry):
        @pl.when(c + 1 < n_ch)
        def _():
            pltpu.make_async_copy(
                tbl_sp.at[idx_v.at[c + 1]], rows_v.at[(c + 1) % 2], gsem
            ).start()

        pltpu.make_async_copy(
            tbl_sp.at[idx_v.at[c]], rows_v.at[c % 2], gsem
        ).wait()
        pltpu.sync_copy(
            rows_v.at[c % 2], out_hbm.at[pl.ds(base + c * _CHROWS, _CHROWS)]
        )
        return carry

    lax.fori_loop(0, n_ch, body, 0)


def _sc_gather(table, flat_idx):
    n, d = table.shape
    e = flat_idx.shape[0]
    n_ch = e // (_NW * _CHROWS)
    idx3 = flat_idx.reshape(_NW, n_ch, _CHROWS)
    mesh = plsc.VectorSubcoreMesh(
        core_axis_name="c", subcore_axis_name="s", num_cores=_NC, num_subcores=_NS
    )
    run = pl.kernel(
        _gather_body,
        out_type=jax.ShapeDtypeStruct((e, d), table.dtype),
        mesh=mesh,
        scratch_types=[
            pltpu.VMEM((n_ch, _CHROWS), jnp.int32),
            pltpu.VMEM((2, _CHROWS, d), table.dtype),
            pltpu.VMEM_SHARED((n, d), table.dtype),
            pltpu.SemaphoreType.DMA,
        ],
    )
    return run(table, idx3)


def _rbf_proj_body(x_ref, w1d_ref, out_ref):
    kb = x_ref.shape[1]
    f32, bf16 = jnp.float32, jnp.bfloat16
    w1d = w1d_ref[...].astype(bf16)
    for kk in range(kb):
        y = jax.lax.dot_general(
            x_ref[0, kk].astype(bf16), w1d,
            (((0,), (0,)), ((), ())), preferred_element_type=f32)
        out_ref[0, kk] = y.astype(bf16)


def _tc_rbf_proj(rbf_t, w1d):
    b, k, d_rbf, r = rbf_t.shape
    d = w1d.shape[1]
    kb = 32
    return pl.pallas_call(
        _rbf_proj_body,
        grid=(b, k // kb),
        in_specs=[
            pl.BlockSpec((1, kb, d_rbf, r), lambda i, j: (i, j, 0, 0)),
            pl.BlockSpec((d_rbf, d), lambda i, j: (0, 0)),
        ],
        out_specs=pl.BlockSpec((1, kb, r, d), lambda i, j: (i, j, 0, 0)),
        out_shape=jax.ShapeDtypeStruct((b, k, r, d), jnp.bfloat16),
    )(rbf_t, w1d)


def _mlp_body(node_ref, g_ref, e_ref, rbfc_ref, w1_ref, w2_ref, out_ref):
    br = node_ref.shape[1]
    k = e_ref.shape[2]
    d = node_ref.shape[2]
    f32, bf16 = jnp.float32, jnp.bfloat16
    w1 = w1_ref[...].astype(bf16)
    a = jnp.dot(node_ref[0].astype(bf16), w1[:d],
                preferred_element_type=f32)
    ge = jnp.concatenate(
        [g_ref[0].reshape(br * k, d).astype(bf16),
         e_ref[0].reshape(br * k, d).astype(bf16)], axis=1)
    hid = jnp.dot(ge, w1[d:3 * d], preferred_element_type=f32)
    rc = jnp.swapaxes(rbfc_ref[0], 0, 1)
    hid += rc.reshape(br * k, d).astype(f32)
    hid = (hid.reshape(br, k, d) + a[:, None, :]).reshape(br * k, d)
    out = jnp.dot(hid.astype(bf16), w2_ref[...].astype(bf16),
                  preferred_element_type=f32)
    out_ref[0] = (out * jax.nn.sigmoid(out)).reshape(br, k, d)


def _tc_mlp(node_embed, gathered, local_edge_embed, rbfc_t, w1, w2):
    b, r, d = node_embed.shape
    k = local_edge_embed.shape[2]
    br = 256
    g4 = gathered.reshape(b, r, k, d)
    grid = (b, r // br)
    full = lambda shape: pl.BlockSpec(shape, lambda i, j: (0,) * len(shape))
    return pl.pallas_call(
        _mlp_body,
        grid=grid,
        in_specs=[
            pl.BlockSpec((1, br, d), lambda i, j: (i, j, 0)),
            pl.BlockSpec((1, br, k, d), lambda i, j: (i, j, 0, 0)),
            pl.BlockSpec((1, br, k, d), lambda i, j: (i, j, 0, 0)),
            pl.BlockSpec((1, k, br, d), lambda i, j: (i, 0, j, 0)),
            full(w1.shape),
            full((d, d)),
        ],
        out_specs=pl.BlockSpec((1, br, k, d), lambda i, j: (i, j, 0, 0)),
        out_shape=jax.ShapeDtypeStruct((b, r, k, d), jnp.float32),
    )(node_embed, g4, local_edge_embed, rbfc_t, w1, w2)


def kernel(node_embed, local_edge_embed, rbf_embed, local_graph, W1, W2):
    b, r, d = node_embed.shape
    k = local_edge_embed.shape[2]
    flat_idx = (jnp.arange(b, dtype=jnp.int32)[:, None, None] * r
                + local_graph.astype(jnp.int32)).reshape(-1)
    rbf_t = jnp.transpose(rbf_embed, (0, 2, 3, 1))
    rbfc_t = _tc_rbf_proj(rbf_t, W1[3 * d:])
    gathered = _sc_gather(node_embed.reshape(b * r, d), flat_idx)
    return _tc_mlp(node_embed, gathered, local_edge_embed, rbfc_t, W1, W2)

# --- scband reference (transcript-rebuilt; emitter-appended) ---
"""Pipeline reference for scband-frame-gem-4939212390724 (READ-ONLY COPY).

The authoritative reference and input builder live on the scoring server;
editing this copy changes nothing except your own understanding.
"""

import jax, jax.numpy as jnp
import numpy as np


def setup_inputs(seed: int = 0) -> dict:
    key = jax.random.key(seed)
    ks = jax.random.split(key, 6)
    B, R, K = 4, 512, 32
    d_node, d_edge, d_rbf, d_hid = 128, 128, 16, 128
    node_embed = jax.random.normal(ks[0], (B, R, d_node), dtype=jnp.float32)
    local_edge_embed = jax.random.normal(ks[1], (B, R, K, d_edge), dtype=jnp.float32)
    rbf_embed = jax.random.normal(ks[2], (B, R, K, d_rbf), dtype=jnp.float32)
    local_graph = jax.random.randint(ks[3], (B, R, K), 0, R)
    in_features = 2 * d_node + d_edge + d_rbf
    W1 = jax.random.normal(ks[4], (in_features, d_hid), dtype=jnp.float32) / np.sqrt(in_features)
    W2 = jax.random.normal(ks[5], (d_hid, d_edge), dtype=jnp.float32) / np.sqrt(d_hid)
    return {
        "node_embed": node_embed,
        "local_edge_embed": local_edge_embed,
        "rbf_embed": rbf_embed,
        "local_graph": local_graph,
        "W1": W1,
        "W2": W2,
    }


def reference(node_embed, local_edge_embed, rbf_embed, local_graph, W1, W2):
    # local_1d_gather: gather neighbor node features per (batch, residue, neighbor)
    B, R, K = local_graph.shape
    b_idx = jnp.arange(B)[:, None, None]
    local_node_embed = node_embed[b_idx, local_graph]  # [B, R, K, d_node]
    # EdgeEmbedding.forward
    tiled_node = jnp.broadcast_to(
        node_embed[:, :, None, :], (B, R, K, node_embed.shape[-1])
    )
    feats_in = jnp.concatenate(
        [tiled_node, local_node_embed, local_edge_embed, rbf_embed], axis=-1
    )
    feats_hid = feats_in @ W1  # Dense, no bias, no activation
    feats_out = jax.nn.silu(feats_hid @ W2)  # Dense, no bias, silu activation
    return feats_out

if __name__ == "__main__":
    import jax
    _d = setup_inputs()
    print(jax.jit(kernel)(*tuple(_d.values())))

</pallas_src>

<mosaic_0001>
#map = affine_map<(d0, d1) -> (0, 0)>
#map1 = affine_map<(d0, d1) -> (0, 0, 0)>
module attributes {stable_mosaic.version = 14 : i64} {
  func.func @_gather_body(%arg0: i32, %arg1: i32, %arg2: memref<2048x128xf32, #tpu.memory_space<hbm>>, %arg3: memref<32x16x128xi32, #tpu.memory_space<hbm>>, %arg4: memref<65536x128xf32, #tpu.memory_space<hbm>>, %arg5: memref<16x128xi32, #tpu.memory_space<vmem>>, %arg6: memref<2x128x128xf32, #tpu.memory_space<vmem>>, %arg7: memref<2048x128xf32, #tpu.memory_space<vmem_shared>>, %arg8: memref<!tpu.dma_semaphore, #tpu.memory_space<semaphore_mem>>) attributes {dimension_semantics = [#tpu.dimension_semantics<core_parallel>, #tpu.dimension_semantics<subcore_parallel>], iteration_bounds = array<i64: 2, 16>, scalar_prefetch = 0 : i64, scratch_operands = 4 : i64, tpu.core_type = #tpu.core_type<sc_vector_subcore>, window_params = [{transform_indices = #map}, {transform_indices = #map1}, {transform_indices = #map}]} {
    %mul3A = arith.constant 2 : i32
    %mul3A_0 = arith.muli %arg1, %mul3A : i32
    %add3A = arith.addi %mul3A_0, %arg0 : i32
    %eq3A = arith.constant 0 : i32
    %eq3A_1 = arith.cmpi eq, %arg1, %eq3A : i32
    %convert_element_type3A = arith.extui %eq3A_1 : i1 to i32
    %cond3A = arith.constant 0 : i32
    %cond3A_2 = arith.cmpi ne, %convert_element_type3A, %cond3A : i32
    scf.if %cond3A_2 {
      "tpu.region"() ({
        %run_scoped3A = tpu.sem_alloc : memref<!tpu.dma_semaphore, #tpu.memory_space<semaphore_mem>>
        tpu.enqueue_dma source(%arg2 : memref<2048x128xf32, #tpu.memory_space<hbm>>) target(%arg7 : memref<2048x128xf32, #tpu.memory_space<vmem_shared>>) target_semaphore(%run_scoped3A : memref<!tpu.dma_semaphore, #tpu.memory_space<semaphore_mem>>)
        tpu.wait_dma2 semaphore(%run_scoped3A : memref<!tpu.dma_semaphore, #tpu.memory_space<semaphore_mem>>) src(%arg2 : memref<2048x128xf32, #tpu.memory_space<hbm>>) dst(%arg7 : memref<2048x128xf32, #tpu.memory_space<vmem_shared>>)
        tpu.yield
      }) : () -> ()
    } else {
    }
    "tpu.region"() ({
      %run_scoped3A = tpu.sem_alloc : memref<!tpu.dma_semaphore, #tpu.memory_space<semaphore_mem>>
      %dma_start3A_21 = arith.constant 0 : i32
      %dma_start3A_22 = arith.constant 0 : i32
      %dma_start3A_23 = tpu.memref_slice %arg3[%add3A, %dma_start3A_21, %dma_start3A_22] : memref<32x16x128xi32, #tpu.memory_space<hbm>> -> memref<1x16x128xi32, #tpu.memory_space<hbm>>
      %dma_start3A_24 = tpu.memref_squeeze %dma_start3A_23 : memref<1x16x128xi32, #tpu.memory_space<hbm>> -> memref<16x128xi32, #tpu.memory_space<hbm>>
      %dma_start3A_25 = arith.constant 0 : i32
      %dma_start3A_26 = arith.constant 0 : i32
      %dma_start3A_27 = tpu.memref_slice %arg3[%add3A, %dma_start3A_25, %dma_start3A_26] : memref<32x16x128xi32, #tpu.memory_space<hbm>> -> memref<1x16x128xi32, #tpu.memory_space<hbm>>
      %dma_start3A_28 = tpu.memref_squeeze %dma_start3A_27 : memref<1x16x128xi32, #tpu.memory_space<hbm>> -> memref<16x128xi32, #tpu.memory_space<hbm>>
      tpu.enqueue_dma source(%dma_start3A_28 : memref<16x128xi32, #tpu.memory_space<hbm>>) target(%arg5 : memref<16x128xi32, #tpu.memory_space<vmem>>) target_semaphore(%run_scoped3A : memref<!tpu.dma_semaphore, #tpu.memory_space<semaphore_mem>>)
      %dma_wait3A = arith.constant 0 : i32
      %dma_wait3A_29 = arith.constant 0 : i32
      %dma_wait3A_30 = tpu.memref_slice %arg3[%add3A, %dma_wait3A, %dma_wait3A_29] : memref<32x16x128xi32, #tpu.memory_space<hbm>> -> memref<1x16x128xi32, #tpu.memory_space<hbm>>
      %dma_wait3A_31 = tpu.memref_squeeze %dma_wait3A_30 : memref<1x16x128xi32, #tpu.memory_space<hbm>> -> memref<16x128xi32, #tpu.memory_space<hbm>>
      %dma_wait3A_32 = arith.constant 0 : i32
      %dma_wait3A_33 = arith.constant 0 : i32
      %dma_wait3A_34 = tpu.memref_slice %arg3[%add3A, %dma_wait3A_32, %dma_wait3A_33] : memref<32x16x128xi32, #tpu.memory_space<hbm>> -> memref<1x16x128xi32, #tpu.memory_space<hbm>>
      %dma_wait3A_35 = tpu.memref_squeeze %dma_wait3A_34 : memref<1x16x128xi32, #tpu.memory_space<hbm>> -> memref<16x128xi32, #tpu.memory_space<hbm>>
      tpu.wait_dma2 semaphore(%run_scoped3A : memref<!tpu.dma_semaphore, #tpu.memory_space<semaphore_mem>>) src(%dma_wait3A_35 : memref<16x128xi32, #tpu.memory_space<hbm>>) dst(%arg5 : memref<16x128xi32, #tpu.memory_space<vmem>>)
      tpu.yield
    }) : () -> ()
    %barrier3A = arith.constant 0 : index
    tpu.barrier barrier_id(%barrier3A)
    %mul3A_3 = arith.constant 2048 : i32
    %mul3A_4 = arith.muli %add3A, %mul3A_3 : i32
    %dma_start3A = arith.constant 0 : i32
    %dma_start3A_5 = arith.constant 0 : i32
    %dma_start3A_6 = arith.constant 0 : i32
    %dma_start3A_7 = arith.constant 0 : i32
    %dma_start3A_8 = tpu.memref_slice %arg6[%dma_start3A_5, %dma_start3A_6, %dma_start3A_7] : memref<2x128x128xf32, #tpu.memory_space<vmem>> -> memref<1x128x128xf32, #tpu.memory_space<vmem>>
    %dma_start3A_9 = tpu.memref_squeeze %dma_start3A_8 : memref<1x128x128xf32, #tpu.memory_space<vmem>> -> memref<128x128xf32, #tpu.memory_space<vmem>>
    %dma_start3A_10 = arith.constant 0 : i32
    %dma_start3A_11 = tpu.memref_slice %arg5[%dma_start3A, %dma_start3A_10] : memref<16x128xi32, #tpu.memory_space<vmem>> -> memref<1x128xi32, #tpu.memory_space<vmem>>
    %dma_start3A_12 = tpu.memref_squeeze %dma_start3A_11 : memref<1x128xi32, #tpu.memory_space<vmem>> -> memref<128xi32, #tpu.memory_space<vmem>>
    %dma_start3A_13 = arith.constant 0 : i32
    %dma_start3A_14 = arith.constant 0 : i32
    %dma_start3A_15 = tpu.memref_slice %arg7[%dma_start3A_13, %dma_start3A_14] : memref<2048x128xf32, #tpu.memory_space<vmem_shared>> -> memref<2048x128xf32, #tpu.memory_space<vmem_shared>>
    tpu.enqueue_indirect_dma source(%dma_start3A_15 : memref<2048x128xf32, #tpu.memory_space<vmem_shared>>) target(%dma_start3A_9 : memref<128x128xf32, #tpu.memory_space<vmem>>) offsets(%dma_start3A_12 : memref<128xi32, #tpu.memory_space<vmem>>) semaphore(%arg8 : memref<!tpu.dma_semaphore, #tpu.memory_space<semaphore_mem>>)
    %scan3A = arith.constant 0 : i32
    %scan3A_16 = arith.constant 0 : i32
    %scan3A_17 = arith.constant 16 : i32
    %scan3A_18 = arith.addi %scan3A_16, %scan3A_17 : i32
    %scan3A_19 = arith.constant 1 : i32
    scf.for %scan3A_21 = %scan3A_16 to %scan3A_18 step %scan3A_19  : i32 {
      %add3A_22 = arith.constant 1 : i32
      %add3A_23 = arith.addi %scan3A_21, %add3A_22 : i32
      %lt3A = arith.constant 16 : i32
      %lt3A_24 = arith.cmpi slt, %add3A_23, %lt3A : i32
      %convert_element_type3A_25 = arith.extui %lt3A_24 : i1 to i32
      %cond3A_26 = arith.constant 0 : i32
      %cond3A_27 = arith.cmpi ne, %convert_element_type3A_25, %cond3A_26 : i32
      scf.if %cond3A_27 {
        %add3A_67 = arith.constant 1 : i32
        %add3A_68 = arith.addi %scan3A_21, %add3A_67 : i32
        %add3A_69 = arith.constant 1 : i32
        %add3A_70 = arith.addi %scan3A_21, %add3A_69 : i32
        %jit3A_71 = arith.constant 2 : i32
        %eq3A_72 = arith.constant 0 : i32
        %eq3A_73 = arith.cmpi eq, %jit3A_71, %eq3A_72 : i32
        %jit3A_74 = arith.constant 1 : i32
        %select_n3A_75 = arith.select %eq3A_73, %jit3A_74, %jit3A_71 : i32
        %rem3A_76 = arith.remsi %add3A_70, %select_n3A_75 : i32
        %ne3A_77 = arith.constant 0 : i32
        %ne3A_78 = arith.cmpi ne, %rem3A_76, %ne3A_77 : i32
        %lt3A_79 = arith.constant 0 : i32
        %lt3A_80 = arith.cmpi slt, %rem3A_76, %lt3A_79 : i32
        %lt3A_81 = arith.constant 0 : i32
        %lt3A_82 = arith.cmpi slt, %select_n3A_75, %lt3A_81 : i32
        %ne3A_83 = arith.xori %lt3A_80, %lt3A_82 : i1
        %and3A_84 = arith.andi %ne3A_83, %ne3A_78 : i1
        %add3A_85 = arith.addi %rem3A_76, %select_n3A_75 : i32
        %select_n3A_86 = arith.select %and3A_84, %add3A_85, %rem3A_76 : i32
        %dma_start3A_87 = arith.constant 0 : i32
        %dma_start3A_88 = arith.constant 0 : i32
        %dma_start3A_89 = tpu.memref_slice %arg6[%select_n3A_86, %dma_start3A_87, %dma_start3A_88] : memref<2x128x128xf32, #tpu.memory_space<vmem>> -> memref<1x128x128xf32, #tpu.memory_space<vmem>>
        %dma_start3A_90 = tpu.memref_squeeze %dma_start3A_89 : memref<1x128x128xf32, #tpu.memory_space<vmem>> -> memref<128x128xf32, #tpu.memory_space<vmem>>
        %dma_start3A_91 = arith.constant 0 : i32
        %dma_start3A_92 = tpu.memref_slice %arg5[%add3A_68, %dma_start3A_91] : memref<16x128xi32, #tpu.memory_space<vmem>> -> memref<1x128xi32, #tpu.memory_space<vmem>>
        %dma_start3A_93 = tpu.memref_squeeze %dma_start3A_92 : memref<1x128xi32, #tpu.memory_space<vmem>> -> memref<128xi32, #tpu.memory_space<vmem>>
        %dma_start3A_94 = arith.constant 0 : i32
        %dma_start3A_95 = arith.constant 0 : i32
        %dma_start3A_96 = tpu.memref_slice %arg7[%dma_start3A_94, %dma_start3A_95] : memref<2048x128xf32, #tpu.memory_space<vmem_shared>> -> memref<2048x128xf32, #tpu.memory_space<vmem_shared>>
        tpu.enqueue_indirect_dma source(%dma_start3A_96 : memref<2048x128xf32, #tpu.memory_space<vmem_shared>>) target(%dma_start3A_90 : memref<128x128xf32, #tpu.memory_space<vmem>>) offsets(%dma_start3A_93 : memref<128xi32, #tpu.memory_space<vmem>>) semaphore(%arg8 : memref<!tpu.dma_semaphore, #tpu.memory_space<semaphore_mem>>)
      } else {
      }
      %jit3A = arith.constant 2 : i32
      %eq3A_28 = arith.constant 0 : i32
      %eq3A_29 = arith.cmpi eq, %jit3A, %eq3A_28 : i32
      %jit3A_30 = arith.constant 1 : i32
      %select_n3A = arith.select %eq3A_29, %jit3A_30, %jit3A : i32
      %rem3A = arith.remsi %scan3A_21, %select_n3A : i32
      %ne3A = arith.constant 0 : i32
      %ne3A_31 = arith.cmpi ne, %rem3A, %ne3A : i32
      %lt3A_32 = arith.constant 0 : i32
      %lt3A_33 = arith.cmpi slt, %rem3A, %lt3A_32 : i32
      %lt3A_34 = arith.constant 0 : i32
      %lt3A_35 = arith.cmpi slt, %select_n3A, %lt3A_34 : i32
      %ne3A_36 = arith.xori %lt3A_33, %lt3A_35 : i1
      %and3A = arith.andi %ne3A_36, %ne3A_31 : i1
      %add3A_37 = arith.addi %rem3A, %select_n3A : i32
      %select_n3A_38 = arith.select %and3A, %add3A_37, %rem3A : i32
      %dma_wait3A = arith.constant 0 : i32
      %dma_wait3A_39 = arith.constant 0 : i32
      %dma_wait3A_40 = tpu.memref_slice %arg6[%select_n3A_38, %dma_wait3A, %dma_wait3A_39] : memref<2x128x128xf32, #tpu.memory_space<vmem>> -> memref<1x128x128xf32, #tpu.memory_space<vmem>>
      %dma_wait3A_41 = tpu.memref_squeeze %dma_wait3A_40 : memref<1x128x128xf32, #tpu.memory_space<vmem>> -> memref<128x128xf32, #tpu.memory_space<vmem>>
      %dma_wait3A_42 = arith.constant 0 : i32
      %dma_wait3A_43 = tpu.memref_slice %arg5[%scan3A_21, %dma_wait3A_42] : memref<16x128xi32, #tpu.memory_space<vmem>> -> memref<1x128xi32, #tpu.memory_space<vmem>>
      %dma_wait3A_44 = tpu.memref_squeeze %dma_wait3A_43 : memref<1x128xi32, #tpu.memory_space<vmem>> -> memref<128xi32, #tpu.memory_space<vmem>>
      %dma_wait3A_45 = arith.constant 0 : i32
      %dma_wait3A_46 = arith.constant 0 : i32
      %dma_wait3A_47 = tpu.memref_slice %arg7[%dma_wait3A_45, %dma_wait3A_46] : memref<2048x128xf32, #tpu.memory_space<vmem_shared>> -> memref<2048x128xf32, #tpu.memory_space<vmem_shared>>
      tpu.wait_indirect_dma semaphore(%arg8 : memref<!tpu.dma_semaphore, #tpu.memory_space<semaphore_mem>>) src(%dma_wait3A_47 : memref<2048x128xf32, #tpu.memory_space<vmem_shared>>) dst(%dma_wait3A_41 : memref<128x128xf32, #tpu.memory_space<vmem>>)
      %jit3A_48 = arith.constant 2 : i32
      %eq3A_49 = arith.constant 0 : i32
      %eq3A_50 = arith.cmpi eq, %jit3A_48, %eq3A_49 : i32
      %jit3A_51 = arith.constant 1 : i32
      %select_n3A_52 = arith.select %eq3A_50, %jit3A_51, %jit3A_48 : i32
      %rem3A_53 = arith.remsi %scan3A_21, %select_n3A_52 : i32
      %ne3A_54 = arith.constant 0 : i32
      %ne3A_55 = arith.cmpi ne, %rem3A_53, %ne3A_54 : i32
      %lt3A_56 = arith.constant 0 : i32
      %lt3A_57 = arith.cmpi slt, %rem3A_53, %lt3A_56 : i32
      %lt3A_58 = arith.constant 0 : i32
      %lt3A_59 = arith.cmpi slt, %select_n3A_52, %lt3A_58 : i32
      %ne3A_60 = arith.xori %lt3A_57, %lt3A_59 : i1
      %and3A_61 = arith.andi %ne3A_60, %ne3A_55 : i1
      %add3A_62 = arith.addi %rem3A_53, %select_n3A_52 : i32
      %select_n3A_63 = arith.select %and3A_61, %add3A_62, %rem3A_53 : i32
      %mul3A_64 = arith.constant 128 : i32
      %mul3A_65 = arith.muli %scan3A_21, %mul3A_64 : i32
      %add3A_66 = arith.addi %mul3A_4, %mul3A_65 : i32
      "tpu.region"() ({
        %run_scoped3A = tpu.sem_alloc : memref<!tpu.dma_semaphore, #tpu.memory_space<semaphore_mem>>
        %dma_start3A_67 = arith.constant 0 : i32
        %dma_start3A_68 = arith.constant 0 : i32
        %dma_start3A_69 = tpu.memref_slice %arg6[%select_n3A_63, %dma_start3A_67, %dma_start3A_68] : memref<2x128x128xf32, #tpu.memory_space<vmem>> -> memref<1x128x128xf32, #tpu.memory_space<vmem>>
        %dma_start3A_70 = tpu.memref_squeeze %dma_start3A_69 : memref<1x128x128xf32, #tpu.memory_space<vmem>> -> memref<128x128xf32, #tpu.memory_space<vmem>>
        %dma_start3A_71 = arith.constant 0 : i32
        %dma_start3A_72 = tpu.memref_slice %arg4[%add3A_66, %dma_start3A_71] : memref<65536x128xf32, #tpu.memory_space<hbm>> -> memref<128x128xf32, #tpu.memory_space<hbm>>
        %dma_start3A_73 = arith.constant 0 : i32
        %dma_start3A_74 = tpu.memref_slice %arg4[%add3A_66, %dma_start3A_73] : memref<65536x128xf32, #tpu.memory_space<hbm>> -> memref<128x128xf32, #tpu.memory_space<hbm>>
        %dma_start3A_75 = arith.constant 0 : i32
        %dma_start3A_76 = arith.constant 0 : i32
        %dma_start3A_77 = tpu.memref_slice %arg6[%select_n3A_63, %dma_start3A_75, %dma_start3A_76] : memref<2x128x128xf32, #tpu.memory_space<vmem>> -> memref<1x128x128xf32, #tpu.memory_space<vmem>>
        %dma_start3A_78 = tpu.memref_squeeze %dma_start3A_77 : memref<1x128x128xf32, #tpu.memory_space<vmem>> -> memref<128x128xf32, #tpu.memory_space<vmem>>
        tpu.enqueue_dma source(%dma_start3A_78 : memref<128x128xf32, #tpu.memory_space<vmem>>) target(%dma_start3A_74 : memref<128x128xf32, #tpu.memory_space<hbm>>) target_semaphore(%run_scoped3A : memref<!tpu.dma_semaphore, #tpu.memory_space<semaphore_mem>>)
        %dma_wait3A_79 = arith.constant 0 : i32
        %dma_wait3A_80 = arith.constant 0 : i32
        %dma_wait3A_81 = tpu.memref_slice %arg6[%select_n3A_63, %dma_wait3A_79, %dma_wait3A_80] : memref<2x128x128xf32, #tpu.memory_space<vmem>> -> memref<1x128x128xf32, #tpu.memory_space<vmem>>
        %dma_wait3A_82 = tpu.memref_squeeze %dma_wait3A_81 : memref<1x128x128xf32, #tpu.memory_space<vmem>> -> memref<128x128xf32, #tpu.memory_space<vmem>>
        %dma_wait3A_83 = arith.constant 0 : i32
        %dma_wait3A_84 = tpu.memref_slice %arg4[%add3A_66, %dma_wait3A_83] : memref<65536x128xf32, #tpu.memory_space<hbm>> -> memref<128x128xf32, #tpu.memory_space<hbm>>
        %dma_wait3A_85 = arith.constant 0 : i32
        %dma_wait3A_86 = tpu.memref_slice %arg4[%add3A_66, %dma_wait3A_85] : memref<65536x128xf32, #tpu.memory_space<hbm>> -> memref<128x128xf32, #tpu.memory_space<hbm>>
        %dma_wait3A_87 = arith.constant 0 : i32
        %dma_wait3A_88 = arith.constant 0 : i32
        %dma_wait3A_89 = tpu.memref_slice %arg6[%select_n3A_63, %dma_wait3A_87, %dma_wait3A_88] : memref<2x128x128xf32, #tpu.memory_space<vmem>> -> memref<1x128x128xf32, #tpu.memory_space<vmem>>
        %dma_wait3A_90 = tpu.memref_squeeze %dma_wait3A_89 : memref<1x128x128xf32, #tpu.memory_space<vmem>> -> memref<128x128xf32, #tpu.memory_space<vmem>>
        tpu.wait_dma2 semaphore(%run_scoped3A : memref<!tpu.dma_semaphore, #tpu.memory_space<semaphore_mem>>) src(%dma_wait3A_90 : memref<128x128xf32, #tpu.memory_space<vmem>>) dst(%dma_wait3A_86 : memref<128x128xf32, #tpu.memory_space<hbm>>)
        tpu.yield
      }) : () -> ()
    }
    %scan3A_20 = arith.constant 16 : i32
    return
  }
}

module attributes {stable_mosaic.version = 14 : i64} {
  func.func @_mlp_body(%arg0: i32, %arg1: i32, %arg2: memref<1x256x128xf32, #tpu.memory_space<vmem>>, %arg3: memref<1x256x32x128xf32, #tpu.memory_space<vmem>>, %arg4: memref<1x256x32x128xf32, #tpu.memory_space<vmem>>, %arg5: memref<1x32x256x128xbf16, #tpu.memory_space<vmem>>, %arg6: memref<400x128xf32, #tpu.memory_space<vmem>>, %arg7: memref<128x128xf32, #tpu.memory_space<vmem>>, %arg8: memref<1x256x32x128xf32, #tpu.memory_space<vmem>>) attributes {dimension_semantics = [#tpu.dimension_semantics<arbitrary>, #tpu.dimension_semantics<arbitrary>], iteration_bounds = array<i64: 4, 2>, scalar_prefetch = 0 : i64, scratch_operands = 0 : i64, tpu.core_type = #tpu.core_type<tc>, window_params = [{transform_indices = @transform_0, window_bounds = array<i64: 1, 256, 128>}, {transform_indices = @transform_1, window_bounds = array<i64: 1, 256, 32, 128>}, {transform_indices = @transform_2, window_bounds = array<i64: 1, 256, 32, 128>}, {transform_indices = @transform_3, window_bounds = array<i64: 1, 32, 256, 128>}, {pipeline_mode = #tpu.pipeline_mode<synchronous>, transform_indices = @transform_4, window_bounds = array<i64: 400, 128>}, {pipeline_mode = #tpu.pipeline_mode<synchronous>, transform_indices = @transform_5, window_bounds = array<i64: 128, 128>}, {transform_indices = @transform_6, window_bounds = array<i64: 1, 256, 32, 128>}]} {
    %get3A = arith.constant 0 : index
    %get3A_0 = arith.constant 0 : index
    %get3A_1 = vector.load %arg6[%get3A, %get3A_0] : memref<400x128xf32, #tpu.memory_space<vmem>>, vector<400x128xf32>
    %convert_element_type3A = arith.truncf %get3A_1 : vector<400x128xf32> to vector<400x128xbf16>
    %get3A_2 = arith.constant 0 : index
    %get3A_3 = arith.constant 0 : index
    %get3A_4 = arith.constant 0 : index
    %get3A_5 = vector.load %arg2[%get3A_2, %get3A_3, %get3A_4] : memref<1x256x128xf32, #tpu.memory_space<vmem>>, vector<1x256x128xf32>
    %get3A_6 = vector.shape_cast %get3A_5 : vector<1x256x128xf32> to vector<256x128xf32>
    %convert_element_type3A_7 = arith.truncf %get3A_6 : vector<256x128xf32> to vector<256x128xbf16>
    %slice3A = vector.extract_strided_slice %convert_element_type3A {offsets = [0, 0], sizes = [128, 128], strides = [1, 1]} : vector<400x128xbf16> to vector<128x128xbf16>
    %dot_general3A = arith.constant dense<0.000000e+00> : vector<256x128xf32>
    %dot_general3A_8 = tpu.matmul %convert_element_type3A_7, %slice3A, %dot_general3A {dimension_numbers = #tpu.dot_dimension_numbers<[1], [0], [0], [1], [0, 0, 1, 1], [], []>, transpose_lhs_hint = false} : vector<256x128xbf16>, vector<128x128xbf16>, vector<256x128xf32> -> vector<256x128xf32>
    %get3A_9 = arith.constant 0 : index
    %get3A_10 = arith.constant 0 : index
    %get3A_11 = arith.constant 0 : index
    %get3A_12 = arith.constant 0 : index
    %get3A_13 = vector.load %arg3[%get3A_9, %get3A_10, %get3A_11, %get3A_12] : memref<1x256x32x128xf32, #tpu.memory_space<vmem>>, vector<1x256x32x128xf32>
    %get3A_14 = vector.shape_cast %get3A_13 : vector<1x256x32x128xf32> to vector<256x32x128xf32>
    %reshape3A = vector.shape_cast %get3A_14 : vector<256x32x128xf32> to vector<8192x128xf32>
    %convert_element_type3A_15 = arith.truncf %reshape3A : vector<8192x128xf32> to vector<8192x128xbf16>
    %get3A_16 = arith.constant 0 : index
    %get3A_17 = arith.constant 0 : index
    %get3A_18 = arith.constant 0 : index
    %get3A_19 = arith.constant 0 : index
    %get3A_20 = vector.load %arg4[%get3A_16, %get3A_17, %get3A_18, %get3A_19] : memref<1x256x32x128xf32, #tpu.memory_space<vmem>>, vector<1x256x32x128xf32>
    %get3A_21 = vector.shape_cast %get3A_20 : vector<1x256x32x128xf32> to vector<256x32x128xf32>
    %reshape3A_22 = vector.shape_cast %get3A_21 : vector<256x32x128xf32> to vector<8192x128xf32>
    %convert_element_type3A_23 = arith.truncf %reshape3A_22 : vector<8192x128xf32> to vector<8192x128xbf16>
    %concatenate3A = tpu.concatenate %convert_element_type3A_15, %convert_element_type3A_23 in 1 : vector<8192x128xbf16>, vector<8192x128xbf16> -> vector<8192x256xbf16>
    %slice3A_24 = vector.extract_strided_slice %convert_element_type3A {offsets = [128, 0], sizes = [256, 128], strides = [1, 1]} : vector<400x128xbf16> to vector<256x128xbf16>
    %dot_general3A_25 = arith.constant dense<0.000000e+00> : vector<8192x128xf32>
    %dot_general3A_26 = tpu.matmul %concatenate3A, %slice3A_24, %dot_general3A_25 {dimension_numbers = #tpu.dot_dimension_numbers<[1], [0], [0], [1], [0, 0, 1, 1], [], []>, transpose_lhs_hint = false} : vector<8192x256xbf16>, vector<256x128xbf16>, vector<8192x128xf32> -> vector<8192x128xf32>
    %get3A_27 = arith.constant 0 : index
    %get3A_28 = arith.constant 0 : index
    %get3A_29 = arith.constant 0 : index
    %get3A_30 = arith.constant 0 : index
    %get3A_31 = vector.load %arg5[%get3A_27, %get3A_28, %get3A_29, %get3A_30] : memref<1x32x256x128xbf16, #tpu.memory_space<vmem>>, vector<1x32x256x128xbf16>
    %get3A_32 = vector.shape_cast %get3A_31 : vector<1x32x256x128xbf16> to vector<32x256x128xbf16>
    %transpose3A = tpu.transpose %get3A_32, [1, 0, 2] : vector<32x256x128xbf16> -> vector<256x32x128xbf16>
    %reshape3A_33 = vector.shape_cast %transpose3A : vector<256x32x128xbf16> to vector<8192x128xbf16>
    %convert_element_type3A_34 = arith.extf %reshape3A_33 : vector<8192x128xbf16> to vector<8192x128xf32>
    %add3A = arith.addf %dot_general3A_26, %convert_element_type3A_34 : vector<8192x128xf32>
    %reshape3A_35 = vector.shape_cast %add3A : vector<8192x128xf32> to vector<256x32x128xf32>
    %broadcast_in_dim3A = vector.shape_cast %dot_general3A_8 : vector<256x128xf32> to vector<256x1x128xf32>
    %add3A_36 = vector.broadcast %broadcast_in_dim3A : vector<256x1x128xf32> to vector<256x32x128xf32>
    %add3A_37 = arith.addf %reshape3A_35, %add3A_36 : vector<256x32x128xf32>
    %reshape3A_38 = vector.shape_cast %add3A_37 : vector<256x32x128xf32> to vector<8192x128xf32>
    %convert_element_type3A_39 = arith.truncf %reshape3A_38 : vector<8192x128xf32> to vector<8192x128xbf16>
    %get3A_40 = arith.constant 0 : index
    %get3A_41 = arith.constant 0 : index
    %get3A_42 = vector.load %arg7[%get3A_40, %get3A_41] : memref<128x128xf32, #tpu.memory_space<vmem>>, vector<128x128xf32>
    %convert_element_type3A_43 = arith.truncf %get3A_42 : vector<128x128xf32> to vector<128x128xbf16>
    %dot_general3A_44 = arith.constant dense<0.000000e+00> : vector<8192x128xf32>
    %dot_general3A_45 = tpu.matmul %convert_element_type3A_39, %convert_element_type3A_43, %dot_general3A_44 {dimension_numbers = #tpu.dot_dimension_numbers<[1], [0], [0], [1], [0, 0, 1, 1], [], []>, transpose_lhs_hint = false} : vector<8192x128xbf16>, vector<128x128xbf16>, vector<8192x128xf32> -> vector<8192x128xf32>
    %logistic3A = arith.negf %dot_general3A_45 : vector<8192x128xf32>
    %logistic3A_46 = math.exp %logistic3A : vector<8192x128xf32>
    %logistic3A_47 = arith.constant 1.000000e+00 : f32
    %logistic3A_48 = vector.broadcast %logistic3A_47 : f32 to vector<8192x128xf32>
    %logistic3A_49 = arith.addf %logistic3A_48, %logistic3A_46 : vector<8192x128xf32>
    %logistic3A_50 = arith.divf %logistic3A_48, %logistic3A_49 : vector<8192x128xf32>
    %mul3A = arith.mulf %dot_general3A_45, %logistic3A_50 : vector<8192x128xf32>
    %reshape3A_51 = vector.shape_cast %mul3A : vector<8192x128xf32> to vector<256x32x128xf32>
    %swap3A = arith.constant 0 : index
    %swap3A_52 = arith.constant 0 : index
    %swap3A_53 = arith.constant 0 : index
    %swap3A_54 = arith.constant 0 : index
    %swap3A_55 = vector.load %arg8[%swap3A, %swap3A_52, %swap3A_53, %swap3A_54] : memref<1x256x32x128xf32, #tpu.memory_space<vmem>>, vector<1x256x32x128xf32>
    %swap3A_56 = vector.shape_cast %swap3A_55 : vector<1x256x32x128xf32> to vector<256x32x128xf32>
    %swap3A_57 = vector.shape_cast %reshape3A_51 : vector<256x32x128xf32> to vector<1x256x32x128xf32>
    tpu.vector_store %arg8[%swap3A, %swap3A_52, %swap3A_53, %swap3A_54], %swap3A_57 {strides = array<i32>} : memref<1x256x32x128xf32, #tpu.memory_space<vmem>>, vector<1x256x32x128xf32>,
    return
  }
  func.func @transform_0(%arg0: i32, %arg1: i32) -> (i32, i32, i32) {
    %c0_i32 = arith.constant 0 : i32
    %c0_i32_0 = arith.constant 0 : i32
    return %arg0, %arg1, %c0_i32 : i32, i32, i32
  }
  func.func @transform_1(%arg0: i32, %arg1: i32) -> (i32, i32, i32, i32) {
    %c0_i32 = arith.constant 0 : i32
    %c0_i32_0 = arith.constant 0 : i32
    %c0_i32_1 = arith.constant 0 : i32
    return %arg0, %arg1, %c0_i32, %c0_i32_0 : i32, i32, i32, i32
  }
  func.func @transform_2(%arg0: i32, %arg1: i32) -> (i32, i32, i32, i32) {
    %c0_i32 = arith.constant 0 : i32
    %c0_i32_0 = arith.constant 0 : i32
    %c0_i32_1 = arith.constant 0 : i32
    return %arg0, %arg1, %c0_i32, %c0_i32_0 : i32, i32, i32, i32
  }
  func.func @transform_3(%arg0: i32, %arg1: i32) -> (i32, i32, i32, i32) {
    %c0_i32 = arith.constant 0 : i32
    %c0_i32_0 = arith.constant 0 : i32
    %c0_i32_1 = arith.constant 0 : i32
    return %arg0, %c0_i32, %arg1, %c0_i32_0 : i32, i32, i32, i32
  }
  func.func @transform_4(%arg0: i32, %arg1: i32) -> (i32, i32) {
    %c0_i32 = arith.constant 0 : i32
    %c0_i32_0 = arith.constant 0 : i32
    %c0_i32_1 = arith.constant 0 : i32
    return %c0_i32, %c0_i32_0 : i32, i32
  }
  func.func @transform_5(%arg0: i32, %arg1: i32) -> (i32, i32) {
    %c0_i32 = arith.constant 0 : i32
    %c0_i32_0 = arith.constant 0 : i32
    %c0_i32_1 = arith.constant 0 : i32
    return %c0_i32, %c0_i32_0 : i32, i32
  }
  func.func @transform_6(%arg0: i32, %arg1: i32) -> (i32, i32, i32, i32) {
    %c0_i32 = arith.constant 0 : i32
    %c0_i32_0 = arith.constant 0 : i32
    %c0_i32_1 = arith.constant 0 : i32
    return %arg0, %arg1, %c0_i32, %c0_i32_0 : i32, i32, i32, i32
  }
}

module attributes {stable_mosaic.version = 14 : i64} {
  func.func @_rbf_proj_body(%arg0: i32, %arg1: i32, %arg2: memref<1x32x16x512xf32, #tpu.memory_space<vmem>>, %arg3: memref<16x128xf32, #tpu.memory_space<vmem>>, %arg4: memref<1x32x512x128xbf16, #tpu.memory_space<vmem>>) attributes {dimension_semantics = [#tpu.dimension_semantics<arbitrary>, #tpu.dimension_semantics<arbitrary>], iteration_bounds = array<i64: 4, 1>, scalar_prefetch = 0 : i64, scratch_operands = 0 : i64, tpu.core_type = #tpu.core_type<tc>, window_params = [{transform_indices = @transform_0, window_bounds = array<i64: 1, 32, 16, 512>}, {pipeline_mode = #tpu.pipeline_mode<synchronous>, transform_indices = @transform_1, window_bounds = array<i64: 16, 128>}, {transform_indices = @transform_2, window_bounds = array<i64: 1, 32, 512, 128>}]} {
    %get3A = arith.constant 0 : index
    %get3A_0 = arith.constant 0 : index
    %get3A_1 = vector.load %arg3[%get3A, %get3A_0] : memref<16x128xf32, #tpu.memory_space<vmem>>, vector<16x128xf32>
    %convert_element_type3A = arith.truncf %get3A_1 : vector<16x128xf32> to vector<16x128xbf16>
    %get3A_2 = arith.constant 0 : index
    %get3A_3 = arith.constant 0 : index
    %get3A_4 = arith.constant 0 : index
    %get3A_5 = arith.constant 0 : index
    %get3A_6 = vector.load %arg2[%get3A_2, %get3A_3, %get3A_4, %get3A_5] : memref<1x32x16x512xf32, #tpu.memory_space<vmem>>, vector<1x1x16x512xf32>
    %get3A_7 = vector.shape_cast %get3A_6 : vector<1x1x16x512xf32> to vector<16x512xf32>
    %convert_element_type3A_8 = arith.truncf %get3A_7 : vector<16x512xf32> to vector<16x512xbf16>
    %dot_general3A = arith.constant dense<0.000000e+00> : vector<512x128xf32>
    %dot_general3A_9 = tpu.matmul %convert_element_type3A_8, %convert_element_type3A, %dot_general3A {dimension_numbers = #tpu.dot_dimension_numbers<[0], [0], [1], [1], [0, 1, 1, 1], [], []>, transpose_lhs_hint = false} : vector<16x512xbf16>, vector<16x128xbf16>, vector<512x128xf32> -> vector<512x128xf32>
    %convert_element_type3A_10 = arith.truncf %dot_general3A_9 : vector<512x128xf32> to vector<512x128xbf16>
    %swap3A = arith.constant 0 : index
    %swap3A_11 = arith.constant 0 : index
    %swap3A_12 = arith.constant 0 : index
    %swap3A_13 = arith.constant 0 : index
    %swap3A_14 = vector.load %arg4[%swap3A, %swap3A_11, %swap3A_12, %swap3A_13] : memref<1x32x512x128xbf16, #tpu.memory_space<vmem>>, vector<1x1x512x128xbf16>
    %swap3A_15 = vector.shape_cast %swap3A_14 : vector<1x1x512x128xbf16> to vector<512x128xbf16>
    %swap3A_16 = vector.shape_cast %convert_element_type3A_10 : vector<512x128xbf16> to vector<1x1x512x128xbf16>
    tpu.vector_store %arg4[%swap3A, %swap3A_11, %swap3A_12, %swap3A_13], %swap3A_16 {strides = array<i32>} : memref<1x32x512x128xbf16, #tpu.memory_space<vmem>>, vector<1x1x512x128xbf16>,
    %get3A_17 = arith.constant 0 : index
    %get3A_18 = arith.constant 1 : index
    %get3A_19 = arith.constant 0 : index
    %get3A_20 = arith.constant 0 : index
    %get3A_21 = vector.load %arg2[%get3A_17, %get3A_18, %get3A_19, %get3A_20] : memref<1x32x16x512xf32, #tpu.memory_space<vmem>>, vector<1x1x16x512xf32>
    %get3A_22 = vector.shape_cast %get3A_21 : vector<1x1x16x512xf32> to vector<16x512xf32>
    %convert_element_type3A_23 = arith.truncf %get3A_22 : vector<16x512xf32> to vector<16x512xbf16>
    %dot_general3A_24 = arith.constant dense<0.000000e+00> : vector<512x128xf32>
    %dot_general3A_25 = tpu.matmul %convert_element_type3A_23, %convert_element_type3A, %dot_general3A_24 {dimension_numbers = #tpu.dot_dimension_numbers<[0], [0], [1], [1], [0, 1, 1, 1], [], []>, transpose_lhs_hint = false} : vector<16x512xbf16>, vector<16x128xbf16>, vector<512x128xf32> -> vector<512x128xf32>
    %convert_element_type3A_26 = arith.truncf %dot_general3A_25 : vector<512x128xf32> to vector<512x128xbf16>
    %swap3A_27 = arith.constant 0 : index
    %swap3A_28 = arith.constant 1 : index
    %swap3A_29 = arith.constant 0 : index
    %swap3A_30 = arith.constant 0 : index
    %swap3A_31 = vector.load %arg4[%swap3A_27, %swap3A_28, %swap3A_29, %swap3A_30] : memref<1x32x512x128xbf16, #tpu.memory_space<vmem>>, vector<1x1x512x128xbf16>
    %swap3A_32 = vector.shape_cast %swap3A_31 : vector<1x1x512x128xbf16> to vector<512x128xbf16>
    %swap3A_33 = vector.shape_cast %convert_element_type3A_26 : vector<512x128xbf16> to vector<1x1x512x128xbf16>
    tpu.vector_store %arg4[%swap3A_27, %swap3A_28, %swap3A_29, %swap3A_30], %swap3A_33 {strides = array<i32>} : memref<1x32x512x128xbf16, #tpu.memory_space<vmem>>, vector<1x1x512x128xbf16>,
    %get3A_34 = arith.constant 0 : index
    %get3A_35 = arith.constant 2 : index
    %get3A_36 = arith.constant 0 : index
    %get3A_37 = arith.constant 0 : index
    %get3A_38 = vector.load %arg2[%get3A_34, %get3A_35, %get3A_36, %get3A_37] : memref<1x32x16x512xf32, #tpu.memory_space<vmem>>, vector<1x1x16x512xf32>
    %get3A_39 = vector.shape_cast %get3A_38 : vector<1x1x16x512xf32> to vector<16x512xf32>
    %convert_element_type3A_40 = arith.truncf %get3A_39 : vector<16x512xf32> to vector<16x512xbf16>
    %dot_general3A_41 = arith.constant dense<0.000000e+00> : vector<512x128xf32>
    %dot_general3A_42 = tpu.matmul %convert_element_type3A_40, %convert_element_type3A, %dot_general3A_41 {dimension_numbers = #tpu.dot_dimension_numbers<[0], [0], [1], [1], [0, 1, 1, 1], [], []>, transpose_lhs_hint = false} : vector<16x512xbf16>, vector<16x128xbf16>, vector<512x128xf32> -> vector<512x128xf32>
    %convert_element_type3A_43 = arith.truncf %dot_general3A_42 : vector<512x128xf32> to vector<512x128xbf16>
    %swap3A_44 = arith.constant 0 : index
    %swap3A_45 = arith.constant 2 : index
    %swap3A_46 = arith.constant 0 : index
    %swap3A_47 = arith.constant 0 : index
    %swap3A_48 = vector.load %arg4[%swap3A_44, %swap3A_45, %swap3A_46, %swap3A_47] : memref<1x32x512x128xbf16, #tpu.memory_space<vmem>>, vector<1x1x512x128xbf16>
    %swap3A_49 = vector.shape_cast %swap3A_48 : vector<1x1x512x128xbf16> to vector<512x128xbf16>
    %swap3A_50 = vector.shape_cast %convert_element_type3A_43 : vector<512x128xbf16> to vector<1x1x512x128xbf16>
    tpu.vector_store %arg4[%swap3A_44, %swap3A_45, %swap3A_46, %swap3A_47], %swap3A_50 {strides = array<i32>} : memref<1x32x512x128xbf16, #tpu.memory_space<vmem>>, vector<1x1x512x128xbf16>,
    %get3A_51 = arith.constant 0 : index
    %get3A_52 = arith.constant 3 : index
    %get3A_53 = arith.constant 0 : index
    %get3A_54 = arith.constant 0 : index
    %get3A_55 = vector.load %arg2[%get3A_51, %get3A_52, %get3A_53, %get3A_54] : memref<1x32x16x512xf32, #tpu.memory_space<vmem>>, vector<1x1x16x512xf32>
    %get3A_56 = vector.shape_cast %get3A_55 : vector<1x1x16x512xf32> to vector<16x512xf32>
    %convert_element_type3A_57 = arith.truncf %get3A_56 : vector<16x512xf32> to vector<16x512xbf16>
    %dot_general3A_58 = arith.constant dense<0.000000e+00> : vector<512x128xf32>
    %dot_general3A_59 = tpu.matmul %convert_element_type3A_57, %convert_element_type3A, %dot_general3A_58 {dimension_numbers = #tpu.dot_dimension_numbers<[0], [0], [1], [1], [0, 1, 1, 1], [], []>, transpose_lhs_hint = false} : vector<16x512xbf16>, vector<16x128xbf16>, vector<512x128xf32> -> vector<512x128xf32>
    %convert_element_type3A_60 = arith.truncf %dot_general3A_59 : vector<512x128xf32> to vector<512x128xbf16>
    %swap3A_61 = arith.constant 0 : index
    %swap3A_62 = arith.constant 3 : index
    %swap3A_63 = arith.constant 0 : index
    %swap3A_64 = arith.constant 0 : index
    %swap3A_65 = vector.load %arg4[%swap3A_61, %swap3A_62, %swap3A_63, %swap3A_64] : memref<1x32x512x128xbf16, #tpu.memory_space<vmem>>, vector<1x1x512x128xbf16>
    %swap3A_66 = vector.shape_cast %swap3A_65 : vector<1x1x512x128xbf16> to vector<512x128xbf16>
    %swap3A_67 = vector.shape_cast %convert_element_type3A_60 : vector<512x128xbf16> to vector<1x1x512x128xbf16>
    tpu.vector_store %arg4[%swap3A_61, %swap3A_62, %swap3A_63, %swap3A_64], %swap3A_67 {strides = array<i32>} : memref<1x32x512x128xbf16, #tpu.memory_space<vmem>>, vector<1x1x512x128xbf16>,
    %get3A_68 = arith.constant 0 : index
    %get3A_69 = arith.constant 4 : index
    %get3A_70 = arith.constant 0 : index
    %get3A_71 = arith.constant 0 : index
    %get3A_72 = vector.load %arg2[%get3A_68, %get3A_69, %get3A_70, %get3A_71] : memref<1x32x16x512xf32, #tpu.memory_space<vmem>>, vector<1x1x16x512xf32>
    %get3A_73 = vector.shape_cast %get3A_72 : vector<1x1x16x512xf32> to vector<16x512xf32>
    %convert_element_type3A_74 = arith.truncf %get3A_73 : vector<16x512xf32> to vector<16x512xbf16>
    %dot_general3A_75 = arith.constant dense<0.000000e+00> : vector<512x128xf32>
    %dot_general3A_76 = tpu.matmul %convert_element_type3A_74, %convert_element_type3A, %dot_general3A_75 {dimension_numbers = #tpu.dot_dimension_numbers<[0], [0], [1], [1], [0, 1, 1, 1], [], []>, transpose_lhs_hint = false} : vector<16x512xbf16>, vector<16x128xbf16>, vector<512x128xf32> -> vector<512x128xf32>
    %convert_element_type3A_77 = arith.truncf %dot_general3A_76 : vector<512x128xf32> to vector<512x128xbf16>
    %swap3A_78 = arith.constant 0 : index
    %swap3A_79 = arith.constant 4 : index
    %swap3A_80 = arith.constant 0 : index
    %swap3A_81 = arith.constant 0 : index
    %swap3A_82 = vector.load %arg4[%swap3A_78, %swap3A_79, %swap3A_80, %swap3A_81] : memref<1x32x512x128xbf16, #tpu.memory_space<vmem>>, vector<1x1x512x128xbf16>
    %swap3A_83 = vector.shape_cast %swap3A_82 : vector<1x1x512x128xbf16> to vector<512x128xbf16>
    %swap3A_84 = vector.shape_cast %convert_element_type3A_77 : vector<512x128xbf16> to vector<1x1x512x128xbf16>
    tpu.vector_store %arg4[%swap3A_78, %swap3A_79, %swap3A_80, %swap3A_81], %swap3A_84 {strides = array<i32>} : memref<1x32x512x128xbf16, #tpu.memory_space<vmem>>, vector<1x1x512x128xbf16>,
    %get3A_85 = arith.constant 0 : index
    %get3A_86 = arith.constant 5 : index
    %get3A_87 = arith.constant 0 : index
    %get3A_88 = arith.constant 0 : index
    %get3A_89 = vector.load %arg2[%get3A_85, %get3A_86, %get3A_87, %get3A_88] : memref<1x32x16x512xf32, #tpu.memory_space<vmem>>, vector<1x1x16x512xf32>
    %get3A_90 = vector.shape_cast %get3A_89 : vector<1x1x16x512xf32> to vector<16x512xf32>
    %convert_element_type3A_91 = arith.truncf %get3A_90 : vector<16x512xf32> to vector<16x512xbf16>
    %dot_general3A_92 = arith.constant dense<0.000000e+00> : vector<512x128xf32>
    %dot_general3A_93 = tpu.matmul %convert_element_type3A_91, %convert_element_type3A, %dot_general3A_92 {dimension_numbers = #tpu.dot_dimension_numbers<[0], [0], [1], [1], [0, 1, 1, 1], [], []>, transpose_lhs_hint = false} : vector<16x512xbf16>, vector<16x128xbf16>, vector<512x128xf32> -> vector<512x128xf32>
    %convert_element_type3A_94 = arith.truncf %dot_general3A_93 : vector<512x128xf32> to vector<512x128xbf16>
    %swap3A_95 = arith.constant 0 : index
    %swap3A_96 = arith.constant 5 : index
    %swap3A_97 = arith.constant 0 : index
    %swap3A_98 = arith.constant 0 : index
    %swap3A_99 = vector.load %arg4[%swap3A_95, %swap3A_96, %swap3A_97, %swap3A_98] : memref<1x32x512x128xbf16, #tpu.memory_space<vmem>>, vector<1x1x512x128xbf16>
    %swap3A_100 = vector.shape_cast %swap3A_99 : vector<1x1x512x128xbf16> to vector<512x128xbf16>
    %swap3A_101 = vector.shape_cast %convert_element_type3A_94 : vector<512x128xbf16> to vector<1x1x512x128xbf16>
    tpu.vector_store %arg4[%swap3A_95, %swap3A_96, %swap3A_97, %swap3A_98], %swap3A_101 {strides = array<i32>} : memref<1x32x512x128xbf16, #tpu.memory_space<vmem>>, vector<1x1x512x128xbf16>,
    %get3A_102 = arith.constant 0 : index
    %get3A_103 = arith.constant 6 : index
    %get3A_104 = arith.constant 0 : index
    %get3A_105 = arith.constant 0 : index
    %get3A_106 = vector.load %arg2[%get3A_102, %get3A_103, %get3A_104, %get3A_105] : memref<1x32x16x512xf32, #tpu.memory_space<vmem>>, vector<1x1x16x512xf32>
    %get3A_107 = vector.shape_cast %get3A_106 : vector<1x1x16x512xf32> to vector<16x512xf32>
    %convert_element_type3A_108 = arith.truncf %get3A_107 : vector<16x512xf32> to vector<16x512xbf16>
    %dot_general3A_109 = arith.constant dense<0.000000e+00> : vector<512x128xf32>
    %dot_general3A_110 = tpu.matmul %convert_element_type3A_108, %convert_element_type3A, %dot_general3A_109 {dimension_numbers = #tpu.dot_dimension_numbers<[0], [0], [1], [1], [0, 1, 1, 1], [], []>, transpose_lhs_hint = false} : vector<16x512xbf16>, vector<16x128xbf16>, vector<512x128xf32> -> vector<512x128xf32>
    %convert_element_type3A_111 = arith.truncf %dot_general3A_110 : vector<512x128xf32> to vector<512x128xbf16>
    %swap3A_112 = arith.constant 0 : index
    %swap3A_113 = arith.constant 6 : index
    %swap3A_114 = arith.constant 0 : index
    %swap3A_115 = arith.constant 0 : index
    %swap3A_116 = vector.load %arg4[%swap3A_112, %swap3A_113, %swap3A_114, %swap3A_115] : memref<1x32x512x128xbf16, #tpu.memory_space<vmem>>, vector<1x1x512x128xbf16>
    %swap3A_117 = vector.shape_cast %swap3A_116 : vector<1x1x512x128xbf16> to vector<512x128xbf16>
    %swap3A_118 = vector.shape_cast %convert_element_type3A_111 : vector<512x128xbf16> to vector<1x1x512x128xbf16>
    tpu.vector_store %arg4[%swap3A_112, %swap3A_113, %swap3A_114, %swap3A_115], %swap3A_118 {strides = array<i32>} : memref<1x32x512x128xbf16, #tpu.memory_space<vmem>>, vector<1x1x512x128xbf16>,
    %get3A_119 = arith.constant 0 : index
    %get3A_120 = arith.constant 7 : index
    %get3A_121 = arith.constant 0 : index
    %get3A_122 = arith.constant 0 : index
    %get3A_123 = vector.load %arg2[%get3A_119, %get3A_120, %get3A_121, %get3A_122] : memref<1x32x16x512xf32, #tpu.memory_space<vmem>>, vector<1x1x16x512xf32>
    %get3A_124 = vector.shape_cast %get3A_123 : vector<1x1x16x512xf32> to vector<16x512xf32>
    %convert_element_type3A_125 = arith.truncf %get3A_124 : vector<16x512xf32> to vector<16x512xbf16>
    %dot_general3A_126 = arith.constant dense<0.000000e+00> : vector<512x128xf32>
    %dot_general3A_127 = tpu.matmul %convert_element_type3A_125, %convert_element_type3A, %dot_general3A_126 {dimension_numbers = #tpu.dot_dimension_numbers<[0], [0], [1], [1], [0, 1, 1, 1], [], []>, transpose_lhs_hint = false} : vector<16x512xbf16>, vector<16x128xbf16>, vector<512x128xf32> -> vector<512x128xf32>
    %convert_element_type3A_128 = arith.truncf %dot_general3A_127 : vector<512x128xf32> to vector<512x128xbf16>
    %swap3A_129 = arith.constant 0 : index
    %swap3A_130 = arith.constant 7 : index
    %swap3A_131 = arith.constant 0 : index
    %swap3A_132 = arith.constant 0 : index
    %swap3A_133 = vector.load %arg4[%swap3A_129, %swap3A_130, %swap3A_131, %swap3A_132] : memref<1x32x512x128xbf16, #tpu.memory_space<vmem>>, vector<1x1x512x128xbf16>
    %swap3A_134 = vector.shape_cast %swap3A_133 : vector<1x1x512x128xbf16> to vector<512x128xbf16>
    %swap3A_135 = vector.shape_cast %convert_element_type3A_128 : vector<512x128xbf16> to vector<1x1x512x128xbf16>
    tpu.vector_store %arg4[%swap3A_129, %swap3A_130, %swap3A_131, %swap3A_132], %swap3A_135 {strides = array<i32>} : memref<1x32x512x128xbf16, #tpu.memory_space<vmem>>, vector<1x1x512x128xbf16>,
    %get3A_136 = arith.constant 0 : index
    %get3A_137 = arith.constant 8 : index
    %get3A_138 = arith.constant 0 : index
    %get3A_139 = arith.constant 0 : index
    %get3A_140 = vector.load %arg2[%get3A_136, %get3A_137, %get3A_138, %get3A_139] : memref<1x32x16x512xf32, #tpu.memory_space<vmem>>, vector<1x1x16x512xf32>
    %get3A_141 = vector.shape_cast %get3A_140 : vector<1x1x16x512xf32> to vector<16x512xf32>
    %convert_element_type3A_142 = arith.truncf %get3A_141 : vector<16x512xf32> to vector<16x512xbf16>
    %dot_general3A_143 = arith.constant dense<0.000000e+00> : vector<512x128xf32>
    %dot_general3A_144 = tpu.matmul %convert_element_type3A_142, %convert_element_type3A, %dot_general3A_143 {dimension_numbers = #tpu.dot_dimension_numbers<[0], [0], [1], [1], [0, 1, 1, 1], [], []>, transpose_lhs_hint = false} : vector<16x512xbf16>, vector<16x128xbf16>, vector<512x128xf32> -> vector<512x128xf32>
    %convert_element_type3A_145 = arith.truncf %dot_general3A_144 : vector<512x128xf32> to vector<512x128xbf16>
    %swap3A_146 = arith.constant 0 : index
    %swap3A_147 = arith.constant 8 : index
    %swap3A_148 = arith.constant 0 : index
    %swap3A_149 = arith.constant 0 : index
    %swap3A_150 = vector.load %arg4[%swap3A_146, %swap3A_147, %swap3A_148, %swap3A_149] : memref<1x32x512x128xbf16, #tpu.memory_space<vmem>>, vector<1x1x512x128xbf16>
    %swap3A_151 = vector.shape_cast %swap3A_150 : vector<1x1x512x128xbf16> to vector<512x128xbf16>
    %swap3A_152 = vector.shape_cast %convert_element_type3A_145 : vector<512x128xbf16> to vector<1x1x512x128xbf16>
    tpu.vector_store %arg4[%swap3A_146, %swap3A_147, %swap3A_148, %swap3A_149], %swap3A_152 {strides = array<i32>} : memref<1x32x512x128xbf16, #tpu.memory_space<vmem>>, vector<1x1x512x128xbf16>,
    %get3A_153 = arith.constant 0 : index
    %get3A_154 = arith.constant 9 : index
    %get3A_155 = arith.constant 0 : index
    %get3A_156 = arith.constant 0 : index
    %get3A_157 = vector.load %arg2[%get3A_153, %get3A_154, %get3A_155, %get3A_156] : memref<1x32x16x512xf32, #tpu.memory_space<vmem>>, vector<1x1x16x512xf32>
    %get3A_158 = vector.shape_cast %get3A_157 : vector<1x1x16x512xf32> to vector<16x512xf32>
    %convert_element_type3A_159 = arith.truncf %get3A_158 : vector<16x512xf32> to vector<16x512xbf16>
    %dot_general3A_160 = arith.constant dense<0.000000e+00> : vector<512x128xf32>
    %dot_general3A_161 = tpu.matmul %convert_element_type3A_159, %convert_element_type3A, %dot_general3A_160 {dimension_numbers = #tpu.dot_dimension_numbers<[0], [0], [1], [1], [0, 1, 1, 1], [], []>, transpose_lhs_hint = false} : vector<16x512xbf16>, vector<16x128xbf16>, vector<512x128xf32> -> vector<512x128xf32>
    %convert_element_type3A_162 = arith.truncf %dot_general3A_161 : vector<512x128xf32> to vector<512x128xbf16>
    %swap3A_163 = arith.constant 0 : index
    %swap3A_164 = arith.constant 9 : index
    %swap3A_165 = arith.constant 0 : index
    %swap3A_166 = arith.constant 0 : index
    %swap3A_167 = vector.load %arg4[%swap3A_163, %swap3A_164, %swap3A_165, %swap3A_166] : memref<1x32x512x128xbf16, #tpu.memory_space<vmem>>, vector<1x1x512x128xbf16>
    %swap3A_168 = vector.shape_cast %swap3A_167 : vector<1x1x512x128xbf16> to vector<512x128xbf16>
    %swap3A_169 = vector.shape_cast %convert_element_type3A_162 : vector<512x128xbf16> to vector<1x1x512x128xbf16>
    tpu.vector_store %arg4[%swap3A_163, %swap3A_164, %swap3A_165, %swap3A_166], %swap3A_169 {strides = array<i32>} : memref<1x32x512x128xbf16, #tpu.memory_space<vmem>>, vector<1x1x512x128xbf16>,
    %get3A_170 = arith.constant 0 : index
    %get3A_171 = arith.constant 10 : index
    %get3A_172 = arith.constant 0 : index
    %get3A_173 = arith.constant 0 : index
    %get3A_174 = vector.load %arg2[%get3A_170, %get3A_171, %get3A_172, %get3A_173] : memref<1x32x16x512xf32, #tpu.memory_space<vmem>>, vector<1x1x16x512xf32>
    %get3A_175 = vector.shape_cast %get3A_174 : vector<1x1x16x512xf32> to vector<16x512xf32>
    %convert_element_type3A_176 = arith.truncf %get3A_175 : vector<16x512xf32> to vector<16x512xbf16>
    %dot_general3A_177 = arith.constant dense<0.000000e+00> : vector<512x128xf32>
    %dot_general3A_178 = tpu.matmul %convert_element_type3A_176, %convert_element_type3A, %dot_general3A_177 {dimension_numbers = #tpu.dot_dimension_numbers<[0], [0], [1], [1], [0, 1, 1, 1], [], []>, transpose_lhs_hint = false} : vector<16x512xbf16>, vector<16x128xbf16>, vector<512x128xf32> -> vector<512x128xf32>
    %convert_element_type3A_179 = arith.truncf %dot_general3A_178 : vector<512x128xf32> to vector<512x128xbf16>
    %swap3A_180 = arith.constant 0 : index
    %swap3A_181 = arith.constant 10 : index
    %swap3A_182 = arith.constant 0 : index
    %swap3A_183 = arith.constant 0 : index
    %swap3A_184 = vector.load %arg4[%swap3A_180, %swap3A_181, %swap3A_182, %swap3A_183] : memref<1x32x512x128xbf16, #tpu.memory_space<vmem>>, vector<1x1x512x128xbf16>
    %swap3A_185 = vector.shape_cast %swap3A_184 : vector<1x1x512x128xbf16> to vector<512x128xbf16>
    %swap3A_186 = vector.shape_cast %convert_element_type3A_179 : vector<512x128xbf16> to vector<1x1x512x128xbf16>
    tpu.vector_store %arg4[%swap3A_180, %swap3A_181, %swap3A_182, %swap3A_183], %swap3A_186 {strides = array<i32>} : memref<1x32x512x128xbf16, #tpu.memory_space<vmem>>, vector<1x1x512x128xbf16>,
    %get3A_187 = arith.constant 0 : index
    %get3A_188 = arith.constant 11 : index
    %get3A_189 = arith.constant 0 : index
    %get3A_190 = arith.constant 0 : index
    %get3A_191 = vector.load %arg2[%get3A_187, %get3A_188, %get3A_189, %get3A_190] : memref<1x32x16x512xf32, #tpu.memory_space<vmem>>, vector<1x1x16x512xf32>
    %get3A_192 = vector.shape_cast %get3A_191 : vector<1x1x16x512xf32> to vector<16x512xf32>
    %convert_element_type3A_193 = arith.truncf %get3A_192 : vector<16x512xf32> to vector<16x512xbf16>
    %dot_general3A_194 = arith.constant dense<0.000000e+00> : vector<512x128xf32>
    %dot_general3A_195 = tpu.matmul %convert_element_type3A_193, %convert_element_type3A, %dot_general3A_194 {dimension_numbers = #tpu.dot_dimension_numbers<[0], [0], [1], [1], [0, 1, 1, 1], [], []>, transpose_lhs_hint = false} : vector<16x512xbf16>, vector<16x128xbf16>, vector<512x128xf32> -> vector<512x128xf32>
    %convert_element_type3A_196 = arith.truncf %dot_general3A_195 : vector<512x128xf32> to vector<512x128xbf16>
    %swap3A_197 = arith.constant 0 : index
    %swap3A_198 = arith.constant 11 : index
    %swap3A_199 = arith.constant 0 : index
    %swap3A_200 = arith.constant 0 : index
    %swap3A_201 = vector.load %arg4[%swap3A_197, %swap3A_198, %swap3A_199, %swap3A_200] : memref<1x32x512x128xbf16, #tpu.memory_space<vmem>>, vector<1x1x512x128xbf16>
    %swap3A_202 = vector.shape_cast %swap3A_201 : vector<1x1x512x128xbf16> to vector<512x128xbf16>
    %swap3A_203 = vector.shape_cast %convert_element_type3A_196 : vector<512x128xbf16> to vector<1x1x512x128xbf16>
    tpu.vector_store %arg4[%swap3A_197, %swap3A_198, %swap3A_199, %swap3A_200], %swap3A_203 {strides = array<i32>} : memref<1x32x512x128xbf16, #tpu.memory_space<vmem>>, vector<1x1x512x128xbf16>,
    %get3A_204 = arith.constant 0 : index
    %get3A_205 = arith.constant 12 : index
    %get3A_206 = arith.constant 0 : index
    %get3A_207 = arith.constant 0 : index
    %get3A_208 = vector.load %arg2[%get3A_204, %get3A_205, %get3A_206, %get3A_207] : memref<1x32x16x512xf32, #tpu.memory_space<vmem>>, vector<1x1x16x512xf32>
    %get3A_209 = vector.shape_cast %get3A_208 : vector<1x1x16x512xf32> to vector<16x512xf32>
    %convert_element_type3A_210 = arith.truncf %get3A_209 : vector<16x512xf32> to vector<16x512xbf16>
    %dot_general3A_211 = arith.constant dense<0.000000e+00> : vector<512x128xf32>
    %dot_general3A_212 = tpu.matmul %convert_element_type3A_210, %convert_element_type3A, %dot_general3A_211 {dimension_numbers = #tpu.dot_dimension_numbers<[0], [0], [1], [1], [0, 1, 1, 1], [], []>, transpose_lhs_hint = false} : vector<16x512xbf16>, vector<16x128xbf16>, vector<512x128xf32> -> vector<512x128xf32>
    %convert_element_type3A_213 = arith.truncf %dot_general3A_212 : vector<512x128xf32> to vector<512x128xbf16>
    %swap3A_214 = arith.constant 0 : index
    %swap3A_215 = arith.constant 12 : index
    %swap3A_216 = arith.constant 0 : index
    %swap3A_217 = arith.constant 0 : index
    %swap3A_218 = vector.load %arg4[%swap3A_214, %swap3A_215, %swap3A_216, %swap3A_217] : memref<1x32x512x128xbf16, #tpu.memory_space<vmem>>, vector<1x1x512x128xbf16>
    %swap3A_219 = vector.shape_cast %swap3A_218 : vector<1x1x512x128xbf16> to vector<512x128xbf16>
    %swap3A_220 = vector.shape_cast %convert_element_type3A_213 : vector<512x128xbf16> to vector<1x1x512x128xbf16>
    tpu.vector_store %arg4[%swap3A_214, %swap3A_215, %swap3A_216, %swap3A_217], %swap3A_220 {strides = array<i32>} : memref<1x32x512x128xbf16, #tpu.memory_space<vmem>>, vector<1x1x512x128xbf16>,
    %get3A_221 = arith.constant 0 : index
    %get3A_222 = arith.constant 13 : index
    %get3A_223 = arith.constant 0 : index
    %get3A_224 = arith.constant 0 : index
    %get3A_225 = vector.load %arg2[%get3A_221, %get3A_222, %get3A_223, %get3A_224] : memref<1x32x16x512xf32, #tpu.memory_space<vmem>>, vector<1x1x16x512xf32>
    %get3A_226 = vector.shape_cast %get3A_225 : vector<1x1x16x512xf32> to vector<16x512xf32>
    %convert_element_type3A_227 = arith.truncf %get3A_226 : vector<16x512xf32> to vector<16x512xbf16>
    %dot_general3A_228 = arith.constant dense<0.000000e+00> : vector<512x128xf32>
    %dot_general3A_229 = tpu.matmul %convert_element_type3A_227, %convert_element_type3A, %dot_general3A_228 {dimension_numbers = #tpu.dot_dimension_numbers<[0], [0], [1], [1], [0, 1, 1, 1], [], []>, transpose_lhs_hint = false} : vector<16x512xbf16>, vector<16x128xbf16>, vector<512x128xf32> -> vector<512x128xf32>
    %convert_element_type3A_230 = arith.truncf %dot_general3A_229 : vector<512x128xf32> to vector<512x128xbf16>
    %swap3A_231 = arith.constant 0 : index
    %swap3A_232 = arith.constant 13 : index
    %swap3A_233 = arith.constant 0 : index
    %swap3A_234 = arith.constant 0 : index
    %swap3A_235 = vector.load %arg4[%swap3A_231, %swap3A_232, %swap3A_233, %swap3A_234] : memref<1x32x512x128xbf16, #tpu.memory_space<vmem>>, vector<1x1x512x128xbf16>
    %swap3A_236 = vector.shape_cast %swap3A_235 : vector<1x1x512x128xbf16> to vector<512x128xbf16>
    %swap3A_237 = vector.shape_cast %convert_element_type3A_230 : vector<512x128xbf16> to vector<1x1x512x128xbf16>
    tpu.vector_store %arg4[%swap3A_231, %swap3A_232, %swap3A_233, %swap3A_234], %swap3A_237 {strides = array<i32>} : memref<1x32x512x128xbf16, #tpu.memory_space<vmem>>, vector<1x1x512x128xbf16>,
    %get3A_238 = arith.constant 0 : index
    %get3A_239 = arith.constant 14 : index
    %get3A_240 = arith.constant 0 : index
    %get3A_241 = arith.constant 0 : index
    %get3A_242 = vector.load %arg2[%get3A_238, %get3A_239, %get3A_240, %get3A_241] : memref<1x32x16x512xf32, #tpu.memory_space<vmem>>, vector<1x1x16x512xf32>
    %get3A_243 = vector.shape_cast %get3A_242 : vector<1x1x16x512xf32> to vector<16x512xf32>
    %convert_element_type3A_244 = arith.truncf %get3A_243 : vector<16x512xf32> to vector<16x512xbf16>
    %dot_general3A_245 = arith.constant dense<0.000000e+00> : vector<512x128xf32>
    %dot_general3A_246 = tpu.matmul %convert_element_type3A_244, %convert_element_type3A, %dot_general3A_245 {dimension_numbers = #tpu.dot_dimension_numbers<[0], [0], [1], [1], [0, 1, 1, 1], [], []>, transpose_lhs_hint = false} : vector<16x512xbf16>, vector<16x128xbf16>, vector<512x128xf32> -> vector<512x128xf32>
    %convert_element_type3A_247 = arith.truncf %dot_general3A_246 : vector<512x128xf32> to vector<512x128xbf16>
    %swap3A_248 = arith.constant 0 : index
    %swap3A_249 = arith.constant 14 : index
    %swap3A_250 = arith.constant 0 : index
    %swap3A_251 = arith.constant 0 : index
    %swap3A_252 = vector.load %arg4[%swap3A_248, %swap3A_249, %swap3A_250, %swap3A_251] : memref<1x32x512x128xbf16, #tpu.memory_space<vmem>>, vector<1x1x512x128xbf16>
    %swap3A_253 = vector.shape_cast %swap3A_252 : vector<1x1x512x128xbf16> to vector<512x128xbf16>
    %swap3A_254 = vector.shape_cast %convert_element_type3A_247 : vector<512x128xbf16> to vector<1x1x512x128xbf16>
    tpu.vector_store %arg4[%swap3A_248, %swap3A_249, %swap3A_250, %swap3A_251], %swap3A_254 {strides = array<i32>} : memref<1x32x512x128xbf16, #tpu.memory_space<vmem>>, vector<1x1x512x128xbf16>,
    %get3A_255 = arith.constant 0 : index
    %get3A_256 = arith.constant 15 : index
    %get3A_257 = arith.constant 0 : index
    %get3A_258 = arith.constant 0 : index
    %get3A_259 = vector.load %arg2[%get3A_255, %get3A_256, %get3A_257, %get3A_258] : memref<1x32x16x512xf32, #tpu.memory_space<vmem>>, vector<1x1x16x512xf32>
    %get3A_260 = vector.shape_cast %get3A_259 : vector<1x1x16x512xf32> to vector<16x512xf32>
    %convert_element_type3A_261 = arith.truncf %get3A_260 : vector<16x512xf32> to vector<16x512xbf16>
    %dot_general3A_262 = arith.constant dense<0.000000e+00> : vector<512x128xf32>
    %dot_general3A_263 = tpu.matmul %convert_element_type3A_261, %convert_element_type3A, %dot_general3A_262 {dimension_numbers = #tpu.dot_dimension_numbers<[0], [0], [1], [1], [0, 1, 1, 1], [], []>, transpose_lhs_hint = false} : vector<16x512xbf16>, vector<16x128xbf16>, vector<512x128xf32> -> vector<512x128xf32>
    %convert_element_type3A_264 = arith.truncf %dot_general3A_263 : vector<512x128xf32> to vector<512x128xbf16>
    %swap3A_265 = arith.constant 0 : index
    %swap3A_266 = arith.constant 15 : index
    %swap3A_267 = arith.constant 0 : index
    %swap3A_268 = arith.constant 0 : index
    %swap3A_269 = vector.load %arg4[%swap3A_265, %swap3A_266, %swap3A_267, %swap3A_268] : memref<1x32x512x128xbf16, #tpu.memory_space<vmem>>, vector<1x1x512x128xbf16>
    %swap3A_270 = vector.shape_cast %swap3A_269 : vector<1x1x512x128xbf16> to vector<512x128xbf16>
    %swap3A_271 = vector.shape_cast %convert_element_type3A_264 : vector<512x128xbf16> to vector<1x1x512x128xbf16>
    tpu.vector_store %arg4[%swap3A_265, %swap3A_266, %swap3A_267, %swap3A_268], %swap3A_271 {strides = array<i32>} : memref<1x32x512x128xbf16, #tpu.memory_space<vmem>>, vector<1x1x512x128xbf16>,
    %get3A_272 = arith.constant 0 : index
    %get3A_273 = arith.constant 16 : index
    %get3A_274 = arith.constant 0 : index
    %get3A_275 = arith.constant 0 : index
    %get3A_276 = vector.load %arg2[%get3A_272, %get3A_273, %get3A_274, %get3A_275] : memref<1x32x16x512xf32, #tpu.memory_space<vmem>>, vector<1x1x16x512xf32>
    %get3A_277 = vector.shape_cast %get3A_276 : vector<1x1x16x512xf32> to vector<16x512xf32>
    %convert_element_type3A_278 = arith.truncf %get3A_277 : vector<16x512xf32> to vector<16x512xbf16>
    %dot_general3A_279 = arith.constant dense<0.000000e+00> : vector<512x128xf32>
    %dot_general3A_280 = tpu.matmul %convert_element_type3A_278, %convert_element_type3A, %dot_general3A_279 {dimension_numbers = #tpu.dot_dimension_numbers<[0], [0], [1], [1], [0, 1, 1, 1], [], []>, transpose_lhs_hint = false} : vector<16x512xbf16>, vector<16x128xbf16>, vector<512x128xf32> -> vector<512x128xf32>
    %convert_element_type3A_281 = arith.truncf %dot_general3A_280 : vector<512x128xf32> to vector<512x128xbf16>
    %swap3A_282 = arith.constant 0 : index
    %swap3A_283 = arith.constant 16 : index
    %swap3A_284 = arith.constant 0 : index
    %swap3A_285 = arith.constant 0 : index
    %swap3A_286 = vector.load %arg4[%swap3A_282, %swap3A_283, %swap3A_284, %swap3A_285] : memref<1x32x512x128xbf16, #tpu.memory_space<vmem>>, vector<1x1x512x128xbf16>
    %swap3A_287 = vector.shape_cast %swap3A_286 : vector<1x1x512x128xbf16> to vector<512x128xbf16>
    %swap3A_288 = vector.shape_cast %convert_element_type3A_281 : vector<512x128xbf16> to vector<1x1x512x128xbf16>
    tpu.vector_store %arg4[%swap3A_282, %swap3A_283, %swap3A_284, %swap3A_285], %swap3A_288 {strides = array<i32>} : memref<1x32x512x128xbf16, #tpu.memory_space<vmem>>, vector<1x1x512x128xbf16>,
    %get3A_289 = arith.constant 0 : index
    %get3A_290 = arith.constant 17 : index
    %get3A_291 = arith.constant 0 : index
    %get3A_292 = arith.constant 0 : index
    %get3A_293 = vector.load %arg2[%get3A_289, %get3A_290, %get3A_291, %get3A_292] : memref<1x32x16x512xf32, #tpu.memory_space<vmem>>, vector<1x1x16x512xf32>
    %get3A_294 = vector.shape_cast %get3A_293 : vector<1x1x16x512xf32> to vector<16x512xf32>
    %convert_element_type3A_295 = arith.truncf %get3A_294 : vector<16x512xf32> to vector<16x512xbf16>
    %dot_general3A_296 = arith.constant dense<0.000000e+00> : vector<512x128xf32>
    %dot_general3A_297 = tpu.matmul %convert_element_type3A_295, %convert_element_type3A, %dot_general3A_296 {dimension_numbers = #tpu.dot_dimension_numbers<[0], [0], [1], [1], [0, 1, 1, 1], [], []>, transpose_lhs_hint = false} : vector<16x512xbf16>, vector<16x128xbf16>, vector<512x128xf32> -> vector<512x128xf32>
    %convert_element_type3A_298 = arith.truncf %dot_general3A_297 : vector<512x128xf32> to vector<512x128xbf16>
    %swap3A_299 = arith.constant 0 : index
    %swap3A_300 = arith.constant 17 : index
    %swap3A_301 = arith.constant 0 : index
    %swap3A_302 = arith.constant 0 : index
    %swap3A_303 = vector.load %arg4[%swap3A_299, %swap3A_300, %swap3A_301, %swap3A_302] : memref<1x32x512x128xbf16, #tpu.memory_space<vmem>>, vector<1x1x512x128xbf16>
    %swap3A_304 = vector.shape_cast %swap3A_303 : vector<1x1x512x128xbf16> to vector<512x128xbf16>
    %swap3A_305 = vector.shape_cast %convert_element_type3A_298 : vector<512x128xbf16> to vector<1x1x512x128xbf16>
    tpu.vector_store %arg4[%swap3A_299, %swap3A_300, %swap3A_301, %swap3A_302], %swap3A_305 {strides = array<i32>} : memref<1x32x512x128xbf16, #tpu.memory_space<vmem>>, vector<1x1x512x128xbf16>,
    %get3A_306 = arith.constant 0 : index
    %get3A_307 = arith.constant 18 : index
    %get3A_308 = arith.constant 0 : index
    %get3A_309 = arith.constant 0 : index
    %get3A_310 = vector.load %arg2[%get3A_306, %get3A_307, %get3A_308, %get3A_309] : memref<1x32x16x512xf32, #tpu.memory_space<vmem>>, vector<1x1x16x512xf32>
    %get3A_311 = vector.shape_cast %get3A_310 : vector<1x1x16x512xf32> to vector<16x512xf32>
    %convert_element_type3A_312 = arith.truncf %get3A_311 : vector<16x512xf32> to vector<16x512xbf16>
    %dot_general3A_313 = arith.constant dense<0.000000e+00> : vector<512x128xf32>
    %dot_general3A_314 = tpu.matmul %convert_element_type3A_312, %convert_element_type3A, %dot_general3A_313 {dimension_numbers = #tpu.dot_dimension_numbers<[0], [0], [1], [1], [0, 1, 1, 1], [], []>, transpose_lhs_hint = false} : vector<16x512xbf16>, vector<16x128xbf16>, vector<512x128xf32> -> vector<512x128xf32>
    %convert_element_type3A_315 = arith.truncf %dot_general3A_314 : vector<512x128xf32> to vector<512x128xbf16>
    %swap3A_316 = arith.constant 0 : index
    %swap3A_317 = arith.constant 18 : index
    %swap3A_318 = arith.constant 0 : index
    %swap3A_319 = arith.constant 0 : index
    %swap3A_320 = vector.load %arg4[%swap3A_316, %swap3A_317, %swap3A_318, %swap3A_319] : memref<1x32x512x128xbf16, #tpu.memory_space<vmem>>, vector<1x1x512x128xbf16>
    %swap3A_321 = vector.shape_cast %swap3A_320 : vector<1x1x512x128xbf16> to vector<512x128xbf16>
    %swap3A_322 = vector.shape_cast %convert_element_type3A_315 : vector<512x128xbf16> to vector<1x1x512x128xbf16>
    tpu.vector_store %arg4[%swap3A_316, %swap3A_317, %swap3A_318, %swap3A_319], %swap3A_322 {strides = array<i32>} : memref<1x32x512x128xbf16, #tpu.memory_space<vmem>>, vector<1x1x512x128xbf16>,
    %get3A_323 = arith.constant 0 : index
    %get3A_324 = arith.constant 19 : index
    %get3A_325 = arith.constant 0 : index
    %get3A_326 = arith.constant 0 : index
    %get3A_327 = vector.load %arg2[%get3A_323, %get3A_324, %get3A_325, %get3A_326] : memref<1x32x16x512xf32, #tpu.memory_space<vmem>>, vector<1x1x16x512xf32>
    %get3A_328 = vector.shape_cast %get3A_327 : vector<1x1x16x512xf32> to vector<16x512xf32>
    %convert_element_type3A_329 = arith.truncf %get3A_328 : vector<16x512xf32> to vector<16x512xbf16>
    %dot_general3A_330 = arith.constant dense<0.000000e+00> : vector<512x128xf32>
    %dot_general3A_331 = tpu.matmul %convert_element_type3A_329, %convert_element_type3A, %dot_general3A_330 {dimension_numbers = #tpu.dot_dimension_numbers<[0], [0], [1], [1], [0, 1, 1, 1], [], []>, transpose_lhs_hint = false} : vector<16x512xbf16>, vector<16x128xbf16>, vector<512x128xf32> -> vector<512x128xf32>
    %convert_element_type3A_332 = arith.truncf %dot_general3A_331 : vector<512x128xf32> to vector<512x128xbf16>
    %swap3A_333 = arith.constant 0 : index
    %swap3A_334 = arith.constant 19 : index
    %swap3A_335 = arith.constant 0 : index
    %swap3A_336 = arith.constant 0 : index
    %swap3A_337 = vector.load %arg4[%swap3A_333, %swap3A_334, %swap3A_335, %swap3A_336] : memref<1x32x512x128xbf16, #tpu.memory_space<vmem>>, vector<1x1x512x128xbf16>
    %swap3A_338 = vector.shape_cast %swap3A_337 : vector<1x1x512x128xbf16> to vector<512x128xbf16>
    %swap3A_339 = vector.shape_cast %convert_element_type3A_332 : vector<512x128xbf16> to vector<1x1x512x128xbf16>
    tpu.vector_store %arg4[%swap3A_333, %swap3A_334, %swap3A_335, %swap3A_336], %swap3A_339 {strides = array<i32>} : memref<1x32x512x128xbf16, #tpu.memory_space<vmem>>, vector<1x1x512x128xbf16>,
    %get3A_340 = arith.constant 0 : index
    %get3A_341 = arith.constant 20 : index
    %get3A_342 = arith.constant 0 : index
    %get3A_343 = arith.constant 0 : index
    %get3A_344 = vector.load %arg2[%get3A_340, %get3A_341, %get3A_342, %get3A_343] : memref<1x32x16x512xf32, #tpu.memory_space<vmem>>, vector<1x1x16x512xf32>
    %get3A_345 = vector.shape_cast %get3A_344 : vector<1x1x16x512xf32> to vector<16x512xf32>
    %convert_element_type3A_346 = arith.truncf %get3A_345 : vector<16x512xf32> to vector<16x512xbf16>
    %dot_general3A_347 = arith.constant dense<0.000000e+00> : vector<512x128xf32>
    %dot_general3A_348 = tpu.matmul %convert_element_type3A_346, %convert_element_type3A, %dot_general3A_347 {dimension_numbers = #tpu.dot_dimension_numbers<[0], [0], [1], [1], [0, 1, 1, 1], [], []>, transpose_lhs_hint = false} : vector<16x512xbf16>, vector<16x128xbf16>, vector<512x128xf32> -> vector<512x128xf32>
    %convert_element_type3A_349 = arith.truncf %dot_general3A_348 : vector<512x128xf32> to vector<512x128xbf16>
    %swap3A_350 = arith.constant 0 : index
    %swap3A_351 = arith.constant 20 : index
    %swap3A_352 = arith.constant 0 : index
    %swap3A_353 = arith.constant 0 : index
    %swap3A_354 = vector.load %arg4[%swap3A_350, %swap3A_351, %swap3A_352, %swap3A_353] : memref<1x32x512x128xbf16, #tpu.memory_space<vmem>>, vector<1x1x512x128xbf16>
    %swap3A_355 = vector.shape_cast %swap3A_354 : vector<1x1x512x128xbf16> to vector<512x128xbf16>
    %swap3A_356 = vector.shape_cast %convert_element_type3A_349 : vector<512x128xbf16> to vector<1x1x512x128xbf16>
    tpu.vector_store %arg4[%swap3A_350, %swap3A_351, %swap3A_352, %swap3A_353], %swap3A_356 {strides = array<i32>} : memref<1x32x512x128xbf16, #tpu.memory_space<vmem>>, vector<1x1x512x128xbf16>,
    %get3A_357 = arith.constant 0 : index
    %get3A_358 = arith.constant 21 : index
    %get3A_359 = arith.constant 0 : index
    %get3A_360 = arith.constant 0 : index
    %get3A_361 = vector.load %arg2[%get3A_357, %get3A_358, %get3A_359, %get3A_360] : memref<1x32x16x512xf32, #tpu.memory_space<vmem>>, vector<1x1x16x512xf32>
    %get3A_362 = vector.shape_cast %get3A_361 : vector<1x1x16x512xf32> to vector<16x512xf32>
    %convert_element_type3A_363 = arith.truncf %get3A_362 : vector<16x512xf32> to vector<16x512xbf16>
    %dot_general3A_364 = arith.constant dense<0.000000e+00> : vector<512x128xf32>
    %dot_general3A_365 = tpu.matmul %convert_element_type3A_363, %convert_element_type3A, %dot_general3A_364 {dimension_numbers = #tpu.dot_dimension_numbers<[0], [0], [1], [1], [0, 1, 1, 1], [], []>, transpose_lhs_hint = false} : vector<16x512xbf16>, vector<16x128xbf16>, vector<512x128xf32> -> vector<512x128xf32>
    %convert_element_type3A_366 = arith.truncf %dot_general3A_365 : vector<512x128xf32> to vector<512x128xbf16>
    %swap3A_367 = arith.constant 0 : index
    %swap3A_368 = arith.constant 21 : index
    %swap3A_369 = arith.constant 0 : index
    %swap3A_370 = arith.constant 0 : index
    %swap3A_371 = vector.load %arg4[%swap3A_367, %swap3A_368, %swap3A_369, %swap3A_370] : memref<1x32x512x128xbf16, #tpu.memory_space<vmem>>, vector<1x1x512x128xbf16>
    %swap3A_372 = vector.shape_cast %swap3A_371 : vector<1x1x512x128xbf16> to vector<512x128xbf16>
    %swap3A_373 = vector.shape_cast %convert_element_type3A_366 : vector<512x128xbf16> to vector<1x1x512x128xbf16>
    tpu.vector_store %arg4[%swap3A_367, %swap3A_368, %swap3A_369, %swap3A_370], %swap3A_373 {strides = array<i32>} : memref<1x32x512x128xbf16, #tpu.memory_space<vmem>>, vector<1x1x512x128xbf16>,
    %get3A_374 = arith.constant 0 : index
    %get3A_375 = arith.constant 22 : index
    %get3A_376 = arith.constant 0 : index
    %get3A_377 = arith.constant 0 : index
    %get3A_378 = vector.load %arg2[%get3A_374, %get3A_375, %get3A_376, %get3A_377] : memref<1x32x16x512xf32, #tpu.memory_space<vmem>>, vector<1x1x16x512xf32>
    %get3A_379 = vector.shape_cast %get3A_378 : vector<1x1x16x512xf32> to vector<16x512xf32>
    %convert_element_type3A_380 = arith.truncf %get3A_379 : vector<16x512xf32> to vector<16x512xbf16>
    %dot_general3A_381 = arith.constant dense<0.000000e+00> : vector<512x128xf32>
    %dot_general3A_382 = tpu.matmul %convert_element_type3A_380, %convert_element_type3A, %dot_general3A_381 {dimension_numbers = #tpu.dot_dimension_numbers<[0], [0], [1], [1], [0, 1, 1, 1], [], []>, transpose_lhs_hint = false} : vector<16x512xbf16>, vector<16x128xbf16>, vector<512x128xf32> -> vector<512x128xf32>
    %convert_element_type3A_383 = arith.truncf %dot_general3A_382 : vector<512x128xf32> to vector<512x128xbf16>
    %swap3A_384 = arith.constant 0 : index
    %swap3A_385 = arith.constant 22 : index
    %swap3A_386 = arith.constant 0 : index
    %swap3A_387 = arith.constant 0 : index
    %swap3A_388 = vector.load %arg4[%swap3A_384, %swap3A_385, %swap3A_386, %swap3A_387] : memref<1x32x512x128xbf16, #tpu.memory_space<vmem>>, vector<1x1x512x128xbf16>
    %swap3A_389 = vector.shape_cast %swap3A_388 : vector<1x1x512x128xbf16> to vector<512x128xbf16>
    %swap3A_390 = vector.shape_cast %convert_element_type3A_383 : vector<512x128xbf16> to vector<1x1x512x128xbf16>
    tpu.vector_store %arg4[%swap3A_384, %swap3A_385, %swap3A_386, %swap3A_387], %swap3A_390 {strides = array<i32>} : memref<1x32x512x128xbf16, #tpu.memory_space<vmem>>, vector<1x1x512x128xbf16>,
    %get3A_391 = arith.constant 0 : index
    %get3A_392 = arith.constant 23 : index
    %get3A_393 = arith.constant 0 : index
    %get3A_394 = arith.constant 0 : index
    %get3A_395 = vector.load %arg2[%get3A_391, %get3A_392, %get3A_393, %get3A_394] : memref<1x32x16x512xf32, #tpu.memory_space<vmem>>, vector<1x1x16x512xf32>
    %get3A_396 = vector.shape_cast %get3A_395 : vector<1x1x16x512xf32> to vector<16x512xf32>
    %convert_element_type3A_397 = arith.truncf %get3A_396 : vector<16x512xf32> to vector<16x512xbf16>
    %dot_general3A_398 = arith.constant dense<0.000000e+00> : vector<512x128xf32>
    %dot_general3A_399 = tpu.matmul %convert_element_type3A_397, %convert_element_type3A, %dot_general3A_398 {dimension_numbers = #tpu.dot_dimension_numbers<[0], [0], [1], [1], [0, 1, 1, 1], [], []>, transpose_lhs_hint = false} : vector<16x512xbf16>, vector<16x128xbf16>, vector<512x128xf32> -> vector<512x128xf32>
    %convert_element_type3A_400 = arith.truncf %dot_general3A_399 : vector<512x128xf32> to vector<512x128xbf16>
    %swap3A_401 = arith.constant 0 : index
    %swap3A_402 = arith.constant 23 : index
    %swap3A_403 = arith.constant 0 : index
    %swap3A_404 = arith.constant 0 : index
    %swap3A_405 = vector.load %arg4[%swap3A_401, %swap3A_402, %swap3A_403, %swap3A_404] : memref<1x32x512x128xbf16, #tpu.memory_space<vmem>>, vector<1x1x512x128xbf16>
    %swap3A_406 = vector.shape_cast %swap3A_405 : vector<1x1x512x128xbf16> to vector<512x128xbf16>
    %swap3A_407 = vector.shape_cast %convert_element_type3A_400 : vector<512x128xbf16> to vector<1x1x512x128xbf16>
    tpu.vector_store %arg4[%swap3A_401, %swap3A_402, %swap3A_403, %swap3A_404], %swap3A_407 {strides = array<i32>} : memref<1x32x512x128xbf16, #tpu.memory_space<vmem>>, vector<1x1x512x128xbf16>,
    %get3A_408 = arith.constant 0 : index
    %get3A_409 = arith.constant 24 : index
    %get3A_410 = arith.constant 0 : index
    %get3A_411 = arith.constant 0 : index
    %get3A_412 = vector.load %arg2[%get3A_408, %get3A_409, %get3A_410, %get3A_411] : memref<1x32x16x512xf32, #tpu.memory_space<vmem>>, vector<1x1x16x512xf32>
    %get3A_413 = vector.shape_cast %get3A_412 : vector<1x1x16x512xf32> to vector<16x512xf32>
    %convert_element_type3A_414 = arith.truncf %get3A_413 : vector<16x512xf32> to vector<16x512xbf16>
    %dot_general3A_415 = arith.constant dense<0.000000e+00> : vector<512x128xf32>
    %dot_general3A_416 = tpu.matmul %convert_element_type3A_414, %convert_element_type3A, %dot_general3A_415 {dimension_numbers = #tpu.dot_dimension_numbers<[0], [0], [1], [1], [0, 1, 1, 1], [], []>, transpose_lhs_hint = false} : vector<16x512xbf16>, vector<16x128xbf16>, vector<512x128xf32> -> vector<512x128xf32>
    %convert_element_type3A_417 = arith.truncf %dot_general3A_416 : vector<512x128xf32> to vector<512x128xbf16>
    %swap3A_418 = arith.constant 0 : index
    %swap3A_419 = arith.constant 24 : index
    %swap3A_420 = arith.constant 0 : index
    %swap3A_421 = arith.constant 0 : index
    %swap3A_422 = vector.load %arg4[%swap3A_418, %swap3A_419, %swap3A_420, %swap3A_421] : memref<1x32x512x128xbf16, #tpu.memory_space<vmem>>, vector<1x1x512x128xbf16>
    %swap3A_423 = vector.shape_cast %swap3A_422 : vector<1x1x512x128xbf16> to vector<512x128xbf16>
    %swap3A_424 = vector.shape_cast %convert_element_type3A_417 : vector<512x128xbf16> to vector<1x1x512x128xbf16>
    tpu.vector_store %arg4[%swap3A_418, %swap3A_419, %swap3A_420, %swap3A_421], %swap3A_424 {strides = array<i32>} : memref<1x32x512x128xbf16, #tpu.memory_space<vmem>>, vector<1x1x512x128xbf16>,
    %get3A_425 = arith.constant 0 : index
    %get3A_426 = arith.constant 25 : index
    %get3A_427 = arith.constant 0 : index
    %get3A_428 = arith.constant 0 : index
    %get3A_429 = vector.load %arg2[%get3A_425, %get3A_426, %get3A_427, %get3A_428] : memref<1x32x16x512xf32, #tpu.memory_space<vmem>>, vector<1x1x16x512xf32>
    %get3A_430 = vector.shape_cast %get3A_429 : vector<1x1x16x512xf32> to vector<16x512xf32>
    %convert_element_type3A_431 = arith.truncf %get3A_430 : vector<16x512xf32> to vector<16x512xbf16>
    %dot_general3A_432 = arith.constant dense<0.000000e+00> : vector<512x128xf32>
    %dot_general3A_433 = tpu.matmul %convert_element_type3A_431, %convert_element_type3A, %dot_general3A_432 {dimension_numbers = #tpu.dot_dimension_numbers<[0], [0], [1], [1], [0, 1, 1, 1], [], []>, transpose_lhs_hint = false} : vector<16x512xbf16>, vector<16x128xbf16>, vector<512x128xf32> -> vector<512x128xf32>
    %convert_element_type3A_434 = arith.truncf %dot_general3A_433 : vector<512x128xf32> to vector<512x128xbf16>
    %swap3A_435 = arith.constant 0 : index
    %swap3A_436 = arith.constant 25 : index
    %swap3A_437 = arith.constant 0 : index
    %swap3A_438 = arith.constant 0 : index
    %swap3A_439 = vector.load %arg4[%swap3A_435, %swap3A_436, %swap3A_437, %swap3A_438] : memref<1x32x512x128xbf16, #tpu.memory_space<vmem>>, vector<1x1x512x128xbf16>
    %swap3A_440 = vector.shape_cast %swap3A_439 : vector<1x1x512x128xbf16> to vector<512x128xbf16>
    %swap3A_441 = vector.shape_cast %convert_element_type3A_434 : vector<512x128xbf16> to vector<1x1x512x128xbf16>
    tpu.vector_store %arg4[%swap3A_435, %swap3A_436, %swap3A_437, %swap3A_438], %swap3A_441 {strides = array<i32>} : memref<1x32x512x128xbf16, #tpu.memory_space<vmem>>, vector<1x1x512x128xbf16>,
    %get3A_442 = arith.constant 0 : index
    %get3A_443 = arith.constant 26 : index
    %get3A_444 = arith.constant 0 : index
    %get3A_445 = arith.constant 0 : index
    %get3A_446 = vector.load %arg2[%get3A_442, %get3A_443, %get3A_444, %get3A_445] : memref<1x32x16x512xf32, #tpu.memory_space<vmem>>, vector<1x1x16x512xf32>
    %get3A_447 = vector.shape_cast %get3A_446 : vector<1x1x16x512xf32> to vector<16x512xf32>
    %convert_element_type3A_448 = arith.truncf %get3A_447 : vector<16x512xf32> to vector<16x512xbf16>
    %dot_general3A_449 = arith.constant dense<0.000000e+00> : vector<512x128xf32>
    %dot_general3A_450 = tpu.matmul %convert_element_type3A_448, %convert_element_type3A, %dot_general3A_449 {dimension_numbers = #tpu.dot_dimension_numbers<[0], [0], [1], [1], [0, 1, 1, 1], [], []>, transpose_lhs_hint = false} : vector<16x512xbf16>, vector<16x128xbf16>, vector<512x128xf32> -> vector<512x128xf32>
    %convert_element_type3A_451 = arith.truncf %dot_general3A_450 : vector<512x128xf32> to vector<512x128xbf16>
    %swap3A_452 = arith.constant 0 : index
    %swap3A_453 = arith.constant 26 : index
    %swap3A_454 = arith.constant 0 : index
    %swap3A_455 = arith.constant 0 : index
    %swap3A_456 = vector.load %arg4[%swap3A_452, %swap3A_453, %swap3A_454, %swap3A_455] : memref<1x32x512x128xbf16, #tpu.memory_space<vmem>>, vector<1x1x512x128xbf16>
    %swap3A_457 = vector.shape_cast %swap3A_456 : vector<1x1x512x128xbf16> to vector<512x128xbf16>
    %swap3A_458 = vector.shape_cast %convert_element_type3A_451 : vector<512x128xbf16> to vector<1x1x512x128xbf16>
    tpu.vector_store %arg4[%swap3A_452, %swap3A_453, %swap3A_454, %swap3A_455], %swap3A_458 {strides = array<i32>} : memref<1x32x512x128xbf16, #tpu.memory_space<vmem>>, vector<1x1x512x128xbf16>,
    %get3A_459 = arith.constant 0 : index
    %get3A_460 = arith.constant 27 : index
    %get3A_461 = arith.constant 0 : index
    %get3A_462 = arith.constant 0 : index
    %get3A_463 = vector.load %arg2[%get3A_459, %get3A_460, %get3A_461, %get3A_462] : memref<1x32x16x512xf32, #tpu.memory_space<vmem>>, vector<1x1x16x512xf32>
    %get3A_464 = vector.shape_cast %get3A_463 : vector<1x1x16x512xf32> to vector<16x512xf32>
    %convert_element_type3A_465 = arith.truncf %get3A_464 : vector<16x512xf32> to vector<16x512xbf16>
    %dot_general3A_466 = arith.constant dense<0.000000e+00> : vector<512x128xf32>
    %dot_general3A_467 = tpu.matmul %convert_element_type3A_465, %convert_element_type3A, %dot_general3A_466 {dimension_numbers = #tpu.dot_dimension_numbers<[0], [0], [1], [1], [0, 1, 1, 1], [], []>, transpose_lhs_hint = false} : vector<16x512xbf16>, vector<16x128xbf16>, vector<512x128xf32> -> vector<512x128xf32>
    %convert_element_type3A_468 = arith.truncf %dot_general3A_467 : vector<512x128xf32> to vector<512x128xbf16>
    %swap3A_469 = arith.constant 0 : index
    %swap3A_470 = arith.constant 27 : index
    %swap3A_471 = arith.constant 0 : index
    %swap3A_472 = arith.constant 0 : index
    %swap3A_473 = vector.load %arg4[%swap3A_469, %swap3A_470, %swap3A_471, %swap3A_472] : memref<1x32x512x128xbf16, #tpu.memory_space<vmem>>, vector<1x1x512x128xbf16>
    %swap3A_474 = vector.shape_cast %swap3A_473 : vector<1x1x512x128xbf16> to vector<512x128xbf16>
    %swap3A_475 = vector.shape_cast %convert_element_type3A_468 : vector<512x128xbf16> to vector<1x1x512x128xbf16>
    tpu.vector_store %arg4[%swap3A_469, %swap3A_470, %swap3A_471, %swap3A_472], %swap3A_475 {strides = array<i32>} : memref<1x32x512x128xbf16, #tpu.memory_space<vmem>>, vector<1x1x512x128xbf16>,
    %get3A_476 = arith.constant 0 : index
    %get3A_477 = arith.constant 28 : index
    %get3A_478 = arith.constant 0 : index
    %get3A_479 = arith.constant 0 : index
    %get3A_480 = vector.load %arg2[%get3A_476, %get3A_477, %get3A_478, %get3A_479] : memref<1x32x16x512xf32, #tpu.memory_space<vmem>>, vector<1x1x16x512xf32>
    %get3A_481 = vector.shape_cast %get3A_480 : vector<1x1x16x512xf32> to vector<16x512xf32>
    %convert_element_type3A_482 = arith.truncf %get3A_481 : vector<16x512xf32> to vector<16x512xbf16>
    %dot_general3A_483 = arith.constant dense<0.000000e+00> : vector<512x128xf32>
    %dot_general3A_484 = tpu.matmul %convert_element_type3A_482, %convert_element_type3A, %dot_general3A_483 {dimension_numbers = #tpu.dot_dimension_numbers<[0], [0], [1], [1], [0, 1, 1, 1], [], []>, transpose_lhs_hint = false} : vector<16x512xbf16>, vector<16x128xbf16>, vector<512x128xf32> -> vector<512x128xf32>
    %convert_element_type3A_485 = arith.truncf %dot_general3A_484 : vector<512x128xf32> to vector<512x128xbf16>
    %swap3A_486 = arith.constant 0 : index
    %swap3A_487 = arith.constant 28 : index
    %swap3A_488 = arith.constant 0 : index
    %swap3A_489 = arith.constant 0 : index
    %swap3A_490 = vector.load %arg4[%swap3A_486, %swap3A_487, %swap3A_488, %swap3A_489] : memref<1x32x512x128xbf16, #tpu.memory_space<vmem>>, vector<1x1x512x128xbf16>
    %swap3A_491 = vector.shape_cast %swap3A_490 : vector<1x1x512x128xbf16> to vector<512x128xbf16>
    %swap3A_492 = vector.shape_cast %convert_element_type3A_485 : vector<512x128xbf16> to vector<1x1x512x128xbf16>
    tpu.vector_store %arg4[%swap3A_486, %swap3A_487, %swap3A_488, %swap3A_489], %swap3A_492 {strides = array<i32>} : memref<1x32x512x128xbf16, #tpu.memory_space<vmem>>, vector<1x1x512x128xbf16>,
    %get3A_493 = arith.constant 0 : index
    %get3A_494 = arith.constant 29 : index
    %get3A_495 = arith.constant 0 : index
    %get3A_496 = arith.constant 0 : index
    %get3A_497 = vector.load %arg2[%get3A_493, %get3A_494, %get3A_495, %get3A_496] : memref<1x32x16x512xf32, #tpu.memory_space<vmem>>, vector<1x1x16x512xf32>
    %get3A_498 = vector.shape_cast %get3A_497 : vector<1x1x16x512xf32> to vector<16x512xf32>
    %convert_element_type3A_499 = arith.truncf %get3A_498 : vector<16x512xf32> to vector<16x512xbf16>
    %dot_general3A_500 = arith.constant dense<0.000000e+00> : vector<512x128xf32>
    %dot_general3A_501 = tpu.matmul %convert_element_type3A_499, %convert_element_type3A, %dot_general3A_500 {dimension_numbers = #tpu.dot_dimension_numbers<[0], [0], [1], [1], [0, 1, 1, 1], [], []>, transpose_lhs_hint = false} : vector<16x512xbf16>, vector<16x128xbf16>, vector<512x128xf32> -> vector<512x128xf32>
    %convert_element_type3A_502 = arith.truncf %dot_general3A_501 : vector<512x128xf32> to vector<512x128xbf16>
    %swap3A_503 = arith.constant 0 : index
    %swap3A_504 = arith.constant 29 : index
    %swap3A_505 = arith.constant 0 : index
    %swap3A_506 = arith.constant 0 : index
    %swap3A_507 = vector.load %arg4[%swap3A_503, %swap3A_504, %swap3A_505, %swap3A_506] : memref<1x32x512x128xbf16, #tpu.memory_space<vmem>>, vector<1x1x512x128xbf16>
    %swap3A_508 = vector.shape_cast %swap3A_507 : vector<1x1x512x128xbf16> to vector<512x128xbf16>
    %swap3A_509 = vector.shape_cast %convert_element_type3A_502 : vector<512x128xbf16> to vector<1x1x512x128xbf16>
    tpu.vector_store %arg4[%swap3A_503, %swap3A_504, %swap3A_505, %swap3A_506], %swap3A_509 {strides = array<i32>} : memref<1x32x512x128xbf16, #tpu.memory_space<vmem>>, vector<1x1x512x128xbf16>,
    %get3A_510 = arith.constant 0 : index
    %get3A_511 = arith.constant 30 : index
    %get3A_512 = arith.constant 0 : index
    %get3A_513 = arith.constant 0 : index
    %get3A_514 = vector.load %arg2[%get3A_510, %get3A_511, %get3A_512, %get3A_513] : memref<1x32x16x512xf32, #tpu.memory_space<vmem>>, vector<1x1x16x512xf32>
    %get3A_515 = vector.shape_cast %get3A_514 : vector<1x1x16x512xf32> to vector<16x512xf32>
    %convert_element_type3A_516 = arith.truncf %get3A_515 : vector<16x512xf32> to vector<16x512xbf16>
    %dot_general3A_517 = arith.constant dense<0.000000e+00> : vector<512x128xf32>
    %dot_general3A_518 = tpu.matmul %convert_element_type3A_516, %convert_element_type3A, %dot_general3A_517 {dimension_numbers = #tpu.dot_dimension_numbers<[0], [0], [1], [1], [0, 1, 1, 1], [], []>, transpose_lhs_hint = false} : vector<16x512xbf16>, vector<16x128xbf16>, vector<512x128xf32> -> vector<512x128xf32>
    %convert_element_type3A_519 = arith.truncf %dot_general3A_518 : vector<512x128xf32> to vector<512x128xbf16>
    %swap3A_520 = arith.constant 0 : index
    %swap3A_521 = arith.constant 30 : index
    %swap3A_522 = arith.constant 0 : index
    %swap3A_523 = arith.constant 0 : index
    %swap3A_524 = vector.load %arg4[%swap3A_520, %swap3A_521, %swap3A_522, %swap3A_523] : memref<1x32x512x128xbf16, #tpu.memory_space<vmem>>, vector<1x1x512x128xbf16>
    %swap3A_525 = vector.shape_cast %swap3A_524 : vector<1x1x512x128xbf16> to vector<512x128xbf16>
    %swap3A_526 = vector.shape_cast %convert_element_type3A_519 : vector<512x128xbf16> to vector<1x1x512x128xbf16>
    tpu.vector_store %arg4[%swap3A_520, %swap3A_521, %swap3A_522, %swap3A_523], %swap3A_526 {strides = array<i32>} : memref<1x32x512x128xbf16, #tpu.memory_space<vmem>>, vector<1x1x512x128xbf16>,
    %get3A_527 = arith.constant 0 : index
    %get3A_528 = arith.constant 31 : index
    %get3A_529 = arith.constant 0 : index
    %get3A_530 = arith.constant 0 : index
    %get3A_531 = vector.load %arg2[%get3A_527, %get3A_528, %get3A_529, %get3A_530] : memref<1x32x16x512xf32, #tpu.memory_space<vmem>>, vector<1x1x16x512xf32>
    %get3A_532 = vector.shape_cast %get3A_531 : vector<1x1x16x512xf32> to vector<16x512xf32>
    %convert_element_type3A_533 = arith.truncf %get3A_532 : vector<16x512xf32> to vector<16x512xbf16>
    %dot_general3A_534 = arith.constant dense<0.000000e+00> : vector<512x128xf32>
    %dot_general3A_535 = tpu.matmul %convert_element_type3A_533, %convert_element_type3A, %dot_general3A_534 {dimension_numbers = #tpu.dot_dimension_numbers<[0], [0], [1], [1], [0, 1, 1, 1], [], []>, transpose_lhs_hint = false} : vector<16x512xbf16>, vector<16x128xbf16>, vector<512x128xf32> -> vector<512x128xf32>
    %convert_element_type3A_536 = arith.truncf %dot_general3A_535 : vector<512x128xf32> to vector<512x128xbf16>
    %swap3A_537 = arith.constant 0 : index
    %swap3A_538 = arith.constant 31 : index
    %swap3A_539 = arith.constant 0 : index
    %swap3A_540 = arith.constant 0 : index
    %swap3A_541 = vector.load %arg4[%swap3A_537, %swap3A_538, %swap3A_539, %swap3A_540] : memref<1x32x512x128xbf16, #tpu.memory_space<vmem>>, vector<1x1x512x128xbf16>
    %swap3A_542 = vector.shape_cast %swap3A_541 : vector<1x1x512x128xbf16> to vector<512x128xbf16>
    %swap3A_543 = vector.shape_cast %convert_element_type3A_536 : vector<512x128xbf16> to vector<1x1x512x128xbf16>
    tpu.vector_store %arg4[%swap3A_537, %swap3A_538, %swap3A_539, %swap3A_540], %swap3A_543 {strides = array<i32>} : memref<1x32x512x128xbf16, #tpu.memory_space<vmem>>, vector<1x1x512x128xbf16>,
    return
  }
  func.func @transform_0(%arg0: i32, %arg1: i32) -> (i32, i32, i32, i32) {
    %c0_i32 = arith.constant 0 : i32
    %c0_i32_0 = arith.constant 0 : i32
    %c0_i32_1 = arith.constant 0 : i32
    return %arg0, %arg1, %c0_i32, %c0_i32_0 : i32, i32, i32, i32
  }
  func.func @transform_1(%arg0: i32, %arg1: i32) -> (i32, i32) {
    %c0_i32 = arith.constant 0 : i32
    %c0_i32_0 = arith.constant 0 : i32
    %c0_i32_1 = arith.constant 0 : i32
    return %c0_i32, %c0_i32_0 : i32, i32
  }
  func.func @transform_2(%arg0: i32, %arg1: i32) -> (i32, i32, i32, i32) {
    %c0_i32 = arith.constant 0 : i32
    %c0_i32_0 = arith.constant 0 : i32
    %c0_i32_1 = arith.constant 0 : i32
    return %arg0, %arg1, %c0_i32, %c0_i32_0 : i32, i32, i32, i32
  }
}

</mosaic_0001>

<sc_bundles>
// kernel: kernel.5.cloned.1.call-start
scs
__scs_entry_jumppad:
0x0: {  	(pc) =	sbr.rel $0x88, $3  }
0x1: {  	(tag) =	ssettag $0x0;
	lr =	simm.s32 $0x1  }
0x2: {  	[smem:$0x3F9B] =	sst lr;
	_ =	strace $0xD0000000  }
0x3: {  	_ = 	snop  }
0x4: {  	_ = 	snop  }
0x5: {  	_ = 	snop  }
0x6: {  	_ = 	snop  }
0x7: {  	_ = 	snop  }
__scs_overlays_trampoline_lowered:
0x8: {  	[smem:$0x3FAA] =	sst s0  }
0x9: {  	[smem:$0x3FAB] =	sst s1  }
0xa: {  	[smem:$0x3FAC] =	sst s2  }
0xb: {  	[smem:$0x3FAD] =	sst s3  }
0xc: {  	[smem:$0x3FAE] =	sst s4  }
0xd: {  	[smem:$0x3FAF] =	sst s5  }
0xe: {  	[smem:$0x3FB0] =	sst s6  }
0xf: {  	[smem:$0x3FB1] =	sst s7  }
0x10: {  	[smem:$0x3FB2] =	sst s8  }
0x11: {  	[smem:$0x3FB3] =	sst s9;
	s0 =	simm.s32 @!p0 $0x0  }
0x12: {  	s1 =	sld [smem:$0x3F99];
	s0 =	simm.s32 @p0 $0x1  }
0x13: {  	[smem:$0x3FB4] =	sst s0;
	s0 =	simm.s32 @!p1 $0x0  }
0x14: {  	s2 =	sld [smem:$0x3F98];
	s0 =	simm.s32 @p1 $0x1  }
0x15: {  	[smem:$0x3FB5] =	sst s0;
	s0 =	simm.s32 @!p2 $0x0  }
0x16: {  	s3 =	sld [smem:$0x3FDB];
	s0 =	simm.s32 @p2 $0x1  }
0x17: {  	s4 =	simm.s32 $0x1BF5;
	[smem:$0x3FB7] =	sst s0  }
0x18: {  	s0 =	sld [smem:$0x3F9A];
	_ =	swait.ge [sflag:s4], $0x0  }
0x19: {  	s7 =	sld [smem:$0x3F9B]  }
0x1a: {  	s8 =	sadd.s32 $0xFFFFE003, lr  }
0x1b: {  	s9 =	sadd.s32 $0xFFFFFEF7, lr;
	s5 =	simm.s32 $0xFFFFFFFF;
	p2 =	slt.u32 s8, $0xFFFFF086  }
0x1c: {  	p1 =	slt.u32 s9, $0xF7A;
	s5 =	simm.s32 @!p2 $0x0  }
0x1d: {  	s5 =	simm.s32 @p1 $0x1;
	p0 =	seq.s32 s7, s2  }
0x1e: {  	s7 =	smul.u32 @!p0 $0xF7A, s2;
	p2 =	seq.s32 @!p0 s5, $0x0  }
0x1f: {  	s9 =	smul.u32 $0xF7A, s1;
	s8 =	simm.s32 @!p0 $0x1BF5;
	p2 =	por !p2, p0  }
0x20: {  	[sflag:s8] =	ssyncset.s32 @!p0 $0xFFFFF086;
	s6 =	sadd.s32 @!p0 s3, s7;
	s7 =	simm.s32 @!p0 $0x108  }
0x21: {  	s3 =	sadd.s32 s3, s9;
	s6 =	sadd.s32 @!p0 $0x88, s6;
	s7 =	simm.s32 @p2 $0x1082  }
0x22: {  	[simem:s7], [sflag:s8] =	dma.local @!p0 [hbm:s6], $0xF7A  }
0x23: {  	s9 =	sor.u32 $0xD0000000, s2;
	s6 =	simm.s32 $0x108;
	_ =	swait.ge @!p0 [sflag:s8], $0x0  }
0x24: {  	s3 =	sadd.s32 $0x88, s3;
	s6 =	simm.s32 @!p1 $0x1082;
	[sflag:s4] =	ssyncset.s32 $0xFFFFF086  }
0x25: {  	[simem:s6], [sflag:s4] =	dma.local [hbm:s3], $0xF7A  }
0x26: {  	[smem:$0x3F9B] =	sst s1;
	(tag) =	ssettag s2;
	_ =	strace s9  }
0x27: {  	s1 =	sld [smem:$0x3FAB]  }
0x28: {  	s2 =	sld [smem:$0x3FAC]  }
0x29: {  	s4 =	sld [smem:$0x3FAE]  }
0x2a: {  	p0 =	seq.s32 s5, $0x0;
	s5 =	sld [smem:$0x3FAF]  }
0x2b: {  	s6 =	sld [smem:$0x3FB0]  }
0x2c: {  	s7 =	sld [smem:$0x3FB1]  }
0x2d: {  	s3 =	simm.s32 $0x108;
	s8 =	sld [smem:$0x3FB2]  }
0x2e: {  	s3 =	simm.s32 @!p0 $0x1082;
	s9 =	sld [smem:$0x3FB3]  }
0x2f: {  	lr =	sadd.s32 s0, s3;
	s0 =	sld [smem:$0x3FAA]  }
0x30: {  	s3 =	sld [smem:$0x3FAD]  }
0x31: {  	[smem:$0x3FB6] =	sst s10  }
0x32: {  	s10 =	sld [smem:$0x3FB4];
	_ =	sdelay $0x3  }
0x33: {  	p0 =	seq.s32 s10, $0x1;
	s10 =	sld [smem:$0x3FB6];
	_ =	sdelay $0x3  }
0x34: {  	[smem:$0x3FB6] =	sst s10  }
0x35: {  	s10 =	sld [smem:$0x3FB5];
	_ =	sdelay $0x3  }
0x36: {  	p1 =	seq.s32 s10, $0x1;
	s10 =	sld [smem:$0x3FB6];
	_ =	sdelay $0x3  }
0x37: {  	[smem:$0x3FB6] =	sst s10  }
0x38: {  	s10 =	sld [smem:$0x3FB7]  }
0x39: {  	_ = 	snop;
	(pc) =	sbr.ind lr, $3  }
0x3a: {  	_ = 	snop  }
0x3b: {  	_ = 	snop  }
0x3c: {  	p2 =	seq.s32 s10, $0x1;
	s10 =	sld [smem:$0x3FB6]  }
0x3d: {  	_ =	shalt  }
0x3e: {  	_ =	shalt  }
0x3f: {  	_ =	shalt  }
0x40: {  	_ =	shalt  }
0x41: {  	_ =	shalt  }
0x42: {  	_ =	shalt  }
0x43: {  	_ =	shalt  }
0x44: {  	_ =	shalt  }
0x45: {  	_ =	shalt  }
0x46: {  	_ =	shalt  }
0x47: {  	_ =	shalt  }
0x48: {  	_ =	shalt  }
0x49: {  	_ =	shalt  }
0x4a: {  	_ =	shalt  }
0x4b: {  	_ =	shalt  }
0x4c: {  	_ =	shalt  }
0x4d: {  	_ =	shalt  }
0x4e: {  	_ =	shalt  }
0x4f: {  	_ =	shalt  }
0x50: {  	_ =	shalt  }
0x51: {  	_ =	shalt  }
0x52: {  	_ =	shalt  }
0x53: {  	_ =	shalt  }
0x54: {  	_ =	shalt  }
0x55: {  	_ =	shalt  }
0x56: {  	_ =	shalt  }
0x57: {  	_ =	shalt  }
0x58: {  	_ =	shalt  }
0x59: {  	_ =	shalt  }
0x5a: {  	_ =	shalt  }
0x5b: {  	_ =	shalt  }
0x5c: {  	_ =	shalt  }
0x5d: {  	_ =	shalt  }
0x5e: {  	_ =	shalt  }
0x5f: {  	_ =	shalt  }
0x60: {  	_ =	shalt  }
0x61: {  	_ =	shalt  }
0x62: {  	_ =	shalt  }
0x63: {  	_ =	shalt  }
0x64: {  	_ =	shalt  }
0x65: {  	_ =	shalt  }
0x66: {  	_ =	shalt  }
0x67: {  	_ =	shalt  }
0x68: {  	_ =	shalt  }
0x69: {  	_ =	shalt  }
0x6a: {  	_ =	shalt  }
0x6b: {  	_ =	shalt  }
0x6c: {  	_ =	shalt  }
0x6d: {  	_ =	shalt  }
0x6e: {  	_ =	shalt  }
0x6f: {  	_ =	shalt  }
0x70: {  	_ =	shalt  }
0x71: {  	_ =	shalt  }
0x72: {  	_ =	shalt  }
0x73: {  	_ =	shalt  }
0x74: {  	_ =	shalt  }
0x75: {  	_ =	shalt  }
0x76: {  	_ =	shalt  }
0x77: {  	_ =	shalt  }
0x78: {  	_ =	shalt  }
0x79: {  	_ =	shalt  }
0x7a: {  	_ =	shalt  }
0x7b: {  	_ =	shalt  }
0x7c: {  	_ =	shalt  }
0x7d: {  	_ =	shalt  }
0x7e: {  	_ =	shalt  }
0x7f: {  	_ =	shalt  }
0x80: {  	_ =	shalt  }
0x81: {  	_ =	shalt  }
0x82: {  	_ =	shalt  }
0x83: {  	_ =	shalt  }
0x84: {  	_ =	shalt  }
0x85: {  	_ =	shalt  }
0x86: {  	_ =	shalt  }
0x87: {  	_ =	shalt  }
.Lfunc_end0:
.L_simem_size_0:
called_computation_lowered:
.L_overlay_start_0:
0x88: {  	s2 =	sld [smem:$0x3FD9]  }
0x89: {  	s3 =	sld [smem:$0x3FFE];
	_ =	sdelay $0x1  }
0x8a: {  	s1 =	srdreg.scid  }
0x8b: {  	s0 =	sand.u32 $0x1, s1  }
0x8c: {  	s17 =	sshll.u32 s0, $0xA;
	s2 =	sadd.s32 s3, s2  }
0x8d: {  	s2 =	sadd.s32 s2, s17  }
0x8e: {  	[smem:$0x3FC2] =	sst s2  }
0x8f: {  	_ = 	snop  }
0x90: {  	s2 =	sld [smem:$0x3FC9];
	(tm) =	ssettm $0x1  }
0x91: {  	s18 =	sld [smem:$0x3FFB];
	_ =	sdelay $0x3  }
0x92: {  	_ =	strace s18  }
0x93: {  	s3 =	sld [smem:$0x3FFC];
	_ =	sdelay $0x3  }
0x94: {  	_ =	strace s3  }
0x95: {  	s3 =	sld [smem:$0x3FFD];
	_ =	sdelay $0x3  }
0x96: {  	_ =	strace s3  }
0x97: {  	_ =	strace $0x8FFFFFFF  }
0x98: {  	s19 =	sld [smem:$0x3FDB];
	_ =	sdelay $0x1  }
0x99: {  	s4 =	simm.s32 $_scs_section_size  }
0x9a: {  	s5 =	simm.s32 $_size__tile_overlayer_lowered;
	s6 =	simm.s32 $_tile_overlayer_lowered  }
0x9b: {  	s22 =	simm.s32 $0x1BFF;
	s21 =	sshll.u32 s6, $0x1;
	s3 =	sadd.s32 s4, s19  }
0x9c: {  	s7 =	simm.s32 $0x0;
	s20 =	sshll.u32 s5, $0x1;
	s5 =	sadd.s32 s21, s3  }
0x9d: {  	[timem:s7], [sflag:s22] =	dma.local [hbm:s5], s20  }
0x9e: {  	_ =	swait.ge [sflag:s22], s20  }
0x9f: {  	s4 =	ssub.s32 $0x0, s20;
	[sflag:s22] =	ssyncset.done $0x0  }
0xa0: {  	[sflag:s22] =	ssyncadd.s32 s4;
	_ =	sdelay $0x1  }
0xa1: {  	s23 =	simm.s32 $0x1B8B  }
0xa2: {  	_ =	swait.ge [sflag:s23], $0x1  }
0xa3: {  	[sflag:s23] =	ssyncset.done $0x0  }
0xa4: {  	s25 =	simm.s32 $0x1B8E;
	s24 =	sld [smem:$0x3FFE];
	[sflag:s23] =	ssyncadd.s32 $0xFFFFFFFF  }
0xa5: {  	s26 =	simm.s32 $execute0_lowered;
	[smem:$0x3FD2] =	sst s25  }
0xa6: {  	s5 =	sshll.u32 s26, $0x1;
	_ =	strace $0x80000046;
	[dreg:$0x1] =	wrdreg $0xFFFFFFFF  }
0xa7: {  	s28 =	simm.s32 $_size_execute0_lowered;
	s3 =	sadd.s32 s3, s5;
	[dreg:$0x0] =	wrdreg $0x0  }
0xa8: {  	s5 =	sshll.u32 s28, $0x1;
	[dreg:$0x2] =	wrdreg s3  }
0xa9: {  	[dreg:$0x3] =	wrdreg s5  }
0xaa: {  	[dreg:$0x4] =	wrdreg $0xC0  }
0xab: {  	_ =	task [dreg:s7], $0x5FFFF  }
0xac: {  	[dreg:$0x1] =	wrdreg $0xFFFFFFFF  }
0xad: {  	[dreg:$0x0] =	wrdreg $0x60  }
0xae: {  	[dreg:$0x2] =	wrdreg s2  }
0xaf: {  	[dreg:$0x3] =	wrdreg s24  }
0xb0: {  	[dreg:$0x4] =	wrdreg $0x88000  }
0xb1: {  	[dreg:$0x5] =	wrdreg $0x9  }
0xb2: {  	_ =	task.clear_ibuf [dreg:s7], $0x6FFFF;
	_ =	strace $0x90000046  }
0xb3: {  	s29 =	simm.s32 $0x9;
	_ =	strace $0x80000048  }
0xb4: {  	_ =	swait.ge [sflag:s29], $0x1  }
0xb5: {  	[sflag:s29] =	ssyncadd.s32 $0xFFFFFFFF  }
0xb6: {  	_ =	strace $0x90000048  }
0xb7: {  	_ =	sfence  }
0xb8: {  	s30 =	sld [smem:$0x0];
	_ =	sdelay $0x2  }
0xb9: {  	s31 =	sshll.u32 s1, $0xD;
	s1 =	sshrl.u32 s1, $0x2  }
0xba: {  	s3 =	sand.u32 $0x4000, s31;
	s1 =	sadd.s32 s1, s30  }
0xbb: {  	s0 =	sor.u32 s3, s0;
	s1 =	sshll.u32 s1, $0x11  }
0xbc: {  	s0 =	sor.u32 s1, s0  }
0xbd: {  	s0 =	sadd.s32 $0x8F2B, s0  }
0xbe: {  	[sflag:s0] =	ssyncadd.remote.s32 $0x1  }
0xbf: {  	_ =	sfence.sel $0xFFFF  }
0xc0: {  	[dreg:$0x0] =	wrdreg $0xFFFFFFFF;
	(pc) =	sbr.abs _section_cstart, $3  }
0xc1: {  	[dreg:$0x1] =	wrdreg $0xFFFFFFFF  }
0xc2: {  	_ =	task.clear_ibuf [dreg:s7], $0x2FFFF;
	_ =	strace $0x9FFFFFFF  }
0xc3: {  	(tm) =	ssettm $0x7FFFFFFF  }
tec
execute0_lowered:
.L_overlay_start_1:
0x0: {  	(tag) =	ssettag $0x1  }
0x1: {  	s1 =	rddreg [dreg:$0x0]  }
0x2: {  	s4 =	rddreg [dreg:$0x1]  }
0x3: {  	s2 =	rddreg [dreg:$0x2];
	s3 =	srdreg.scid  }
0x4: {  	s0 =	rddreg [dreg:$0x3];
	s6 =	stileid.u32  }
0x5: {  	s11 =	simm.s32 $0x80;
	s12 =	simm.s32 $0x1;
	s13 =	simm.s32 $0x4800  }
0x6: {  	s14 =	simm.s32 $0x0;
	s7 =	sand.u32 $0x1, s3;
	s3 =	simm.s32 $0x0  }
0x7: {  	s5 =	sshll.u32 s6, $0xC;
	s10 =	sadd.s32 $0x3000, s4;
	s31 =	sshll.u32 s6, $0x10  }
0x8: {  	p0 =	sne.s32 s6, $0x0;
	s8 =	sshll.u32 s7, $0xB;
	[smem:$0x7FF] =	sst s3  }
0x9: {  	s9 =	ssub.s32 $0x2, s7;
	s7 =	sshll.u32 s7, $0xF;
	s5 =	sor.u32 s8, s5  }
0xa: {  	_ =	strace $0x80000047;
	s29 =	sshrl.u32 s9, $0x1;
	s8 =	sshrl.u32 s5, $0x3  }
0xb: {  	s9 =	ssub.s32 s9, s29;
	s5 =	sshll.u32 s5, $0x4;
	s8 =	sadd.s32 s8, s4  }
0xc: {  	s30 =	sadd.s32 s10, s5;
	s5 =	smax.u32 s9, $0x1;
	s9 =	sadd.s32 s31, s10  }
0xd: {  	s10 =	simm.s32 $0x800;
	s4 =	sadd.s32 $0x1000, s8;
	s6 =	sadd.s32 $0x7800, s30  }
0xe: {  	s7 =	sadd.s32 s7, s9;
	s8 =	sshrl.u32 @!p0 s2, $0x3;
	s9 =	simm.s32 $0x2  }
.LBB2_1:
0xf: {  	s15 =	simm.s32 @!p0 $0x1C02  }
0x10: {  	[spmem:s8], [sflag:s15] =	dma.local @!p0 [hbm:s1], $0x8000  }
0x11: {  	s15 =	simm.s32 @!p0 $0x2  }
0x12: {  	_ =	swait.ge @!p0 [sflag:s15], $0x8000  }
0x13: {  	[sflag:s15] =	ssyncset.done @!p0 $0x0  }
0x14: {  	[sflag:s15] =	ssyncadd.s32 @!p0 $0xFFFF8000  }
0x15: {  	[tilespmem:s3], [sflag:$0x2] =	stream.linear.gather [hbm4b:s4+s3], $0x800, $0x38;
	[tilespmem:$0xC800] =	vst v63  }
0x16: {  	_ =	swait.ge [sflag:s9], $0x800  }
0x17: {  	[sflag:s9] =	ssyncset.done $0x0  }
0x18: {  	s15 =	simm.s32 $0x4000;
	[sflag:s9] =	ssyncadd.s32 $0xFFFFF800  }
0x19: {  	s16 =	sand.u32 $0x4000, s15;
	[bflag:$0x0] =	sbarrier.arrive $0xFFFF  }
0x1a: {  	[tilespmem:s10], [sflag:$0x1] =	stream.indirect.gather [spmem:s2], $0x80, s3, s11, $0xb8;
	[tilespmem:$0xC800] =	vst v63  }
0x1b: {  	s16 =	sor.u32 $0x800, s16  }
0x1c: {  	[tilespmem:s16], [sflag:$0x1] =	stream.indirect.gather [spmem:s2], $0x80, s11, s11, $0xb8;
	[tilespmem:$0xC800] =	vst v63  }
0x1d: {  	_ =	swait.ge [sflag:s12], $0x4000  }
0x1e: {  	s31 =	sand.u32 $0x4000, s3;
	s17 =	simm.s32 $0x80;
	[sflag:s12] =	ssyncset.done $0x0  }
0x1f: {  	s18 =	sor.u32 $0x800, s31;
	s16 =	smov.u32 s7;
	[sflag:s12] =	ssyncadd.s32 $0xFFFFC000  }
.LBB2_2:
0x20: {  	[hbm4b:s16+s3] =	stream.linear.scatter [tilespmem:s18], [sflag:$0x2], $0x4000, $0x38;
	[tilespmem:$0xC800] =	vst v63  }
0x21: {  	s18 =	smov.u32 s15  }
0x22: {  	p1 =	sne.s32 s15, $0x38000;
	s15 =	sadd.s32 $0x4000, s15;
	_ =	swait.ge [sflag:s9], $0x4000  }
0x23: {  	s17 =	sadd.s32 $0x80, s17;
	s19 =	sand.u32 $0x4000, s15;
	[sflag:s9] =	ssyncset.done $0x0  }
.Ltmp0:
0x24: {  	s19 =	sor.u32 $0x800, s19;
	[sflag:s9] =	ssyncadd.s32 $0xFFFFC000;
	(pc) =	sbr.rel @p1 .LBB2_2-.Ltmp0, $4  }
0x25: {  	[tilespmem:s19], [sflag:$0x1] =	stream.indirect.gather [spmem:s2], $0x80, s17, s11, $0xb8;
	[tilespmem:$0xC800] =	vst v63  }
0x26: {  	_ =	swait.ge [sflag:s12], $0x4000  }
0x27: {  	s18 =	sand.u32 $0x4000, s18;
	[sflag:s12] =	ssyncset.done $0x0  }
0x28: {  	s16 =	sadd.s32 $0x800, s16;
	s18 =	sor.u32 $0x800, s18;
	[sflag:s12] =	ssyncadd.s32 $0xFFFFC000  }
0x29: {  	[hbm4b:s16+s3] =	stream.linear.scatter [tilespmem:s18], [sflag:$0x2], $0x4000, $0x38;
	[tilespmem:$0xC800] =	vst v63  }
0x2a: {  	_ =	swait.ge [sflag:s9], $0x4000  }
0x2b: {  	[sflag:s9] =	ssyncset.done $0x0  }
0x2c: {  	[sflag:s9] =	ssyncadd.s32 $0xFFFFC000  }
0x2d: {  	s14 =	sadd.s32 $0x1, s14;
	_ =	swait.ge [sflag:s12], $0x4000  }
0x2e: {  	p1 =	sne.s32 s14, s5;
	[sflag:s12] =	ssyncset.done $0x0  }
.Ltmp1:
0x2f: {  	[sflag:s12] =	ssyncadd.s32 $0xFFFFC000;
	(pc) =	sbr.rel @p1 .LBB2_1-.Ltmp1, $4  }
0x30: {  	[hbm4b:s6+s3] =	stream.linear.scatter [tilespmem:s13], [sflag:$0x2], $0x4000, $0x38;
	[tilespmem:$0xC800] =	vst v63  }
0x31: {  	_ =	swait.ge [sflag:s9], $0x4000  }
0x32: {  	[sflag:s9] =	ssyncset.done $0x0  }
0x33: {  	[sflag:s9] =	ssyncadd.s32 $0xFFFFC000  }
0x34: {  	_ =	sfence.sel $0x180000  }
0x35: {  	[bflag:$0x0] =	sbarrier.arrive $0xFFFF  }
0x36: {  	_ =	strace $0x90000047  }
0x37: {  	s0 =	sadd.s32 @!p0 $0x100000, s0;
	[bflag:$0x2] =	sbarrier.arrive $0xFFFF  }
0x38: {  	[sflag:s0] =	ssyncadd.tile.s32 @!p0 $0x1;
	_ =	shalt  }
.Lfunc_end2:
_tile_overlayer_lowered:
.L_overlay_start_2:
0x39: {  	(tag) =	ssettag $0x2  }
0x3a: {  	s0 =	rddreg [dreg:$0x0];
	s2 =	stileid.u32  }
0x3b: {  	s1 =	rddreg [dreg:$0x1];
	p0 =	sne.s32 s2, $0x0  }
0x3c: {  	s3 =	rddreg [dreg:$0x2];
	[bflag:$0x3] =	sbarrier.arrive $0xFFFF;
	s2 =	simm.s32 @!p0 $0x1C02  }
0x3d: {  	[timem:s3], [sflag:s2] =	dma.local @!p0 [hbm:s0], s1  }
0x3e: {  	s0 =	simm.s32 @!p0 $0x2  }
0x3f: {  	_ =	swait.ge @!p0 [sflag:s0], s1  }
0x40: {  	s1 =	ssub.s32 @!p0 $0x0, s1;
	[sflag:s0] =	ssyncset.done @!p0 $0x0  }
0x41: {  	[sflag:s0] =	ssyncadd.s32 @!p0 s1  }
0x42: {  	[bflag:$0x3] =	sbarrier.arrive $0xFFFF  }
0x43: {  	_ =	shalt  }

</sc_bundles>
